<compile_context>
chip_gen: v7x
topology: tpu7x:2x2x1
jax: 0.10.2.dev20260603
libtpu: 0.0.44.dev20260713+nightly
codegen_flags: <defaults>
</compile_context>

<pallas_src>
import functools

import jax
import jax.numpy as jnp
from jax import lax
from jax.experimental import pallas as pl
from jax.experimental.pallas import tpu as pltpu
from jax.experimental.pallas import tpu_sc as plsc

DIM = 128
CHUNK = 128
NBUF = 4


@functools.lru_cache(maxsize=None)
def _make_gather(B: int):
    info = plsc.get_sparse_core_info()
    nc, ns = info.num_cores, info.num_subcores
    nw = nc * ns
    assert B % (nw * CHUNK * NBUF) == 0
    b_per_w = B // nw
    n_chunks = b_per_w // CHUNK
    n_groups = n_chunks // NBUF
    mesh = plsc.VectorSubcoreMesh(core_axis_name="c", subcore_axis_name="s")

    @functools.partial(
        pl.kernel,
        out_type=jax.ShapeDtypeStruct((B, DIM), jnp.float32),
        mesh=mesh,
        scratch_types=[
            pltpu.VMEM((NBUF, CHUNK), jnp.int32),
            pltpu.VMEM((NBUF, CHUNK, DIM), jnp.float32),
        ]
        + [pltpu.SemaphoreType.DMA] * (2 * NBUF),
    )
    def gather(idx_hbm, table_hbm, out_hbm, idx_v, rows_v, *sems):
        gsems, ssems = sems[:NBUF], sems[NBUF:]
        wid = lax.axis_index("s") * nc + lax.axis_index("c")
        wbase = wid * b_per_w

        def start_gather(i, b):
            pltpu.sync_copy(idx_hbm.at[pl.ds(wbase + i * CHUNK, CHUNK)],
                            idx_v.at[b])
            pltpu.async_copy(table_hbm.at[idx_v.at[b]], rows_v.at[b], gsems[b])

        def wait_gather(b):
            pltpu.make_async_copy(table_hbm.at[idx_v.at[b]], rows_v.at[b],
                                  gsems[b]).wait()

        def start_store(i, b):
            pltpu.async_copy(rows_v.at[b],
                             out_hbm.at[pl.ds(wbase + i * CHUNK, CHUNK)],
                             ssems[b])

        def wait_store(i, b):
            pltpu.make_async_copy(rows_v.at[b],
                                  out_hbm.at[pl.ds(wbase + i * CHUNK, CHUNK)],
                                  ssems[b]).wait()

        for b in range(NBUF):
            start_gather(b, b)

        @pl.loop(0, n_groups - 1)
        def _(g):
            for b in range(NBUF):
                wait_gather(b)
                start_store(g * NBUF + b, b)
            for b in range(NBUF):
                wait_store(g * NBUF + b, b)
                start_gather((g + 1) * NBUF + b, b)

        last = (n_groups - 1) * NBUF
        for b in range(NBUF):
            wait_gather(b)
            start_store(last + b, b)
        for b in range(NBUF):
            wait_store(last + b, b)

    return gather


@jax.jit
def kernel(indices, embed):
    bsz, hist = indices.shape
    flat = indices.reshape(bsz * hist)
    out = _make_gather(bsz * hist)(flat, embed)
    return out.reshape(bsz, hist, DIM)

# --- scband reference (transcript-rebuilt; emitter-appended) ---
"""Pipeline reference for scband-fixed-atom-embedding-19447611916348 (READ-ONLY COPY).

The authoritative reference and input builder live on the scoring server;
editing this copy changes nothing except your own understanding.
"""

import jax, jax.numpy as jnp
import numpy as np

VOCAB = 100000
DIM = 128
BATCH = 4096
HIST = 200

def setup_inputs(seed: int = 0) -> dict:
    key = jax.random.key(seed)
    k1, k2 = jax.random.split(key)
    atom_tensors = jax.random.normal(k1, (VOCAB, DIM), dtype=jnp.float32)
    # __init__: prepend a zero row (augmented table); padding_idx = 0
    embed = jnp.concatenate([jnp.zeros((1, DIM), dtype=jnp.float32), atom_tensors], axis=0)
    indices = jax.random.randint(k2, (BATCH, HIST), 0, VOCAB + 1, dtype=jnp.int32)
    return {"indices": indices, "embed": embed}

def reference(indices, embed):
    # F.embedding(indices, self.embed, padding_idx=0, max_norm=None, ...)
    # Forward is a pure row gather; padding_idx only affects gradients.
    return jnp.take(embed, indices, axis=0)

if __name__ == "__main__":
    import jax
    _d = setup_inputs()
    print(jax.jit(kernel)(*tuple(_d.values())))

</pallas_src>

<mosaic_0001>
#map = affine_map<(d0, d1) -> (0)>
#map1 = affine_map<(d0, d1) -> (0, 0)>
module attributes {stable_mosaic.version = 14 : i64} {
  func.func @gather(%arg0: i32, %arg1: i32, %arg2: memref<819200xi32, #tpu.memory_space<hbm>>, %arg3: memref<100001x128xf32, #tpu.memory_space<hbm>>, %arg4: memref<819200x128xf32, #tpu.memory_space<hbm>>, %arg5: memref<4x128xi32, #tpu.memory_space<vmem>>, %arg6: memref<4x128x128xf32, #tpu.memory_space<vmem>>, %arg7: memref<!tpu.dma_semaphore, #tpu.memory_space<semaphore_mem>>, %arg8: memref<!tpu.dma_semaphore, #tpu.memory_space<semaphore_mem>>, %arg9: memref<!tpu.dma_semaphore, #tpu.memory_space<semaphore_mem>>, %arg10: memref<!tpu.dma_semaphore, #tpu.memory_space<semaphore_mem>>, %arg11: memref<!tpu.dma_semaphore, #tpu.memory_space<semaphore_mem>>, %arg12: memref<!tpu.dma_semaphore, #tpu.memory_space<semaphore_mem>>, %arg13: memref<!tpu.dma_semaphore, #tpu.memory_space<semaphore_mem>>, %arg14: memref<!tpu.dma_semaphore, #tpu.memory_space<semaphore_mem>>) attributes {dimension_semantics = [#tpu.dimension_semantics<core_parallel>, #tpu.dimension_semantics<subcore_parallel>], iteration_bounds = array<i64: 2, 16>, scalar_prefetch = 0 : i64, scratch_operands = 10 : i64, tpu.core_type = #tpu.core_type<sc_vector_subcore>, window_params = [{transform_indices = #map}, {transform_indices = #map1}, {transform_indices = #map1}]} {
    %mul3A = arith.constant 2 : i32
    %mul3A_0 = arith.muli %arg1, %mul3A : i32
    %add3A = arith.addi %mul3A_0, %arg0 : i32
    %mul3A_1 = arith.constant 25600 : i32
    %mul3A_2 = arith.muli %add3A, %mul3A_1 : i32
    %add3A_3 = arith.constant 0 : i32
    %add3A_4 = arith.addi %mul3A_2, %add3A_3 : i32
    %run_scoped3A = arith.constant 0 : i32
    "tpu.region"() ({
      %run_scoped3A_232 = tpu.sem_alloc : memref<!tpu.dma_semaphore, #tpu.memory_space<semaphore_mem>>
      %dma_start3A_233 = arith.constant 0 : i32
      %dma_start3A_234 = tpu.memref_slice %arg5[%run_scoped3A, %dma_start3A_233] : memref<4x128xi32, #tpu.memory_space<vmem>> -> memref<1x128xi32, #tpu.memory_space<vmem>>
      %dma_start3A_235 = tpu.memref_squeeze %dma_start3A_234 : memref<1x128xi32, #tpu.memory_space<vmem>> -> memref<128xi32, #tpu.memory_space<vmem>>
      %dma_start3A_236 = tpu.memref_slice %arg2[%add3A_4] : memref<819200xi32, #tpu.memory_space<hbm>> -> memref<128xi32, #tpu.memory_space<hbm>>
      %dma_start3A_237 = arith.constant 0 : i32
      %dma_start3A_238 = tpu.memref_slice %arg5[%run_scoped3A, %dma_start3A_237] : memref<4x128xi32, #tpu.memory_space<vmem>> -> memref<1x128xi32, #tpu.memory_space<vmem>>
      %dma_start3A_239 = tpu.memref_squeeze %dma_start3A_238 : memref<1x128xi32, #tpu.memory_space<vmem>> -> memref<128xi32, #tpu.memory_space<vmem>>
      %dma_start3A_240 = tpu.memref_slice %arg2[%add3A_4] : memref<819200xi32, #tpu.memory_space<hbm>> -> memref<128xi32, #tpu.memory_space<hbm>>
      tpu.enqueue_dma source(%dma_start3A_240 : memref<128xi32, #tpu.memory_space<hbm>>) target(%dma_start3A_239 : memref<128xi32, #tpu.memory_space<vmem>>) target_semaphore(%run_scoped3A_232 : memref<!tpu.dma_semaphore, #tpu.memory_space<semaphore_mem>>)
      %dma_wait3A_241 = arith.constant 0 : i32
      %dma_wait3A_242 = tpu.memref_slice %arg5[%run_scoped3A, %dma_wait3A_241] : memref<4x128xi32, #tpu.memory_space<vmem>> -> memref<1x128xi32, #tpu.memory_space<vmem>>
      %dma_wait3A_243 = tpu.memref_squeeze %dma_wait3A_242 : memref<1x128xi32, #tpu.memory_space<vmem>> -> memref<128xi32, #tpu.memory_space<vmem>>
      %dma_wait3A_244 = tpu.memref_slice %arg2[%add3A_4] : memref<819200xi32, #tpu.memory_space<hbm>> -> memref<128xi32, #tpu.memory_space<hbm>>
      %dma_wait3A_245 = arith.constant 0 : i32
      %dma_wait3A_246 = tpu.memref_slice %arg5[%run_scoped3A, %dma_wait3A_245] : memref<4x128xi32, #tpu.memory_space<vmem>> -> memref<1x128xi32, #tpu.memory_space<vmem>>
      %dma_wait3A_247 = tpu.memref_squeeze %dma_wait3A_246 : memref<1x128xi32, #tpu.memory_space<vmem>> -> memref<128xi32, #tpu.memory_space<vmem>>
      %dma_wait3A_248 = tpu.memref_slice %arg2[%add3A_4] : memref<819200xi32, #tpu.memory_space<hbm>> -> memref<128xi32, #tpu.memory_space<hbm>>
      tpu.wait_dma2 semaphore(%run_scoped3A_232 : memref<!tpu.dma_semaphore, #tpu.memory_space<semaphore_mem>>) src(%dma_wait3A_248 : memref<128xi32, #tpu.memory_space<hbm>>) dst(%dma_wait3A_247 : memref<128xi32, #tpu.memory_space<vmem>>)
      tpu.yield
    }) : () -> ()
    %dma_start3A = arith.constant 0 : i32
    %dma_start3A_5 = arith.constant 0 : i32
    %dma_start3A_6 = arith.constant 0 : i32
    %dma_start3A_7 = arith.constant 0 : i32
    %dma_start3A_8 = tpu.memref_slice %arg6[%dma_start3A_5, %dma_start3A_6, %dma_start3A_7] : memref<4x128x128xf32, #tpu.memory_space<vmem>> -> memref<1x128x128xf32, #tpu.memory_space<vmem>>
    %dma_start3A_9 = tpu.memref_squeeze %dma_start3A_8 : memref<1x128x128xf32, #tpu.memory_space<vmem>> -> memref<128x128xf32, #tpu.memory_space<vmem>>
    %dma_start3A_10 = arith.constant 0 : i32
    %dma_start3A_11 = tpu.memref_slice %arg5[%dma_start3A, %dma_start3A_10] : memref<4x128xi32, #tpu.memory_space<vmem>> -> memref<1x128xi32, #tpu.memory_space<vmem>>
    %dma_start3A_12 = tpu.memref_squeeze %dma_start3A_11 : memref<1x128xi32, #tpu.memory_space<vmem>> -> memref<128xi32, #tpu.memory_space<vmem>>
    %dma_start3A_13 = arith.constant 0 : i32
    %dma_start3A_14 = arith.constant 0 : i32
    %dma_start3A_15 = tpu.memref_slice %arg3[%dma_start3A_13, %dma_start3A_14] : memref<100001x128xf32, #tpu.memory_space<hbm>> -> memref<100001x128xf32, #tpu.memory_space<hbm>>
    tpu.enqueue_indirect_dma source(%dma_start3A_15 : memref<100001x128xf32, #tpu.memory_space<hbm>>) target(%dma_start3A_9 : memref<128x128xf32, #tpu.memory_space<vmem>>) offsets(%dma_start3A_12 : memref<128xi32, #tpu.memory_space<vmem>>) semaphore(%arg7 : memref<!tpu.dma_semaphore, #tpu.memory_space<semaphore_mem>>)
    %add3A_16 = arith.constant 128 : i32
    %add3A_17 = arith.addi %mul3A_2, %add3A_16 : i32
    %run_scoped3A_18 = arith.constant 1 : i32
    "tpu.region"() ({
      %run_scoped3A_232 = tpu.sem_alloc : memref<!tpu.dma_semaphore, #tpu.memory_space<semaphore_mem>>
      %dma_start3A_233 = arith.constant 0 : i32
      %dma_start3A_234 = tpu.memref_slice %arg5[%run_scoped3A_18, %dma_start3A_233] : memref<4x128xi32, #tpu.memory_space<vmem>> -> memref<1x128xi32, #tpu.memory_space<vmem>>
      %dma_start3A_235 = tpu.memref_squeeze %dma_start3A_234 : memref<1x128xi32, #tpu.memory_space<vmem>> -> memref<128xi32, #tpu.memory_space<vmem>>
      %dma_start3A_236 = tpu.memref_slice %arg2[%add3A_17] : memref<819200xi32, #tpu.memory_space<hbm>> -> memref<128xi32, #tpu.memory_space<hbm>>
      %dma_start3A_237 = arith.constant 0 : i32
      %dma_start3A_238 = tpu.memref_slice %arg5[%run_scoped3A_18, %dma_start3A_237] : memref<4x128xi32, #tpu.memory_space<vmem>> -> memref<1x128xi32, #tpu.memory_space<vmem>>
      %dma_start3A_239 = tpu.memref_squeeze %dma_start3A_238 : memref<1x128xi32, #tpu.memory_space<vmem>> -> memref<128xi32, #tpu.memory_space<vmem>>
      %dma_start3A_240 = tpu.memref_slice %arg2[%add3A_17] : memref<819200xi32, #tpu.memory_space<hbm>> -> memref<128xi32, #tpu.memory_space<hbm>>
      tpu.enqueue_dma source(%dma_start3A_240 : memref<128xi32, #tpu.memory_space<hbm>>) target(%dma_start3A_239 : memref<128xi32, #tpu.memory_space<vmem>>) target_semaphore(%run_scoped3A_232 : memref<!tpu.dma_semaphore, #tpu.memory_space<semaphore_mem>>)
      %dma_wait3A_241 = arith.constant 0 : i32
      %dma_wait3A_242 = tpu.memref_slice %arg5[%run_scoped3A_18, %dma_wait3A_241] : memref<4x128xi32, #tpu.memory_space<vmem>> -> memref<1x128xi32, #tpu.memory_space<vmem>>
      %dma_wait3A_243 = tpu.memref_squeeze %dma_wait3A_242 : memref<1x128xi32, #tpu.memory_space<vmem>> -> memref<128xi32, #tpu.memory_space<vmem>>
      %dma_wait3A_244 = tpu.memref_slice %arg2[%add3A_17] : memref<819200xi32, #tpu.memory_space<hbm>> -> memref<128xi32, #tpu.memory_space<hbm>>
      %dma_wait3A_245 = arith.constant 0 : i32
      %dma_wait3A_246 = tpu.memref_slice %arg5[%run_scoped3A_18, %dma_wait3A_245] : memref<4x128xi32, #tpu.memory_space<vmem>> -> memref<1x128xi32, #tpu.memory_space<vmem>>
      %dma_wait3A_247 = tpu.memref_squeeze %dma_wait3A_246 : memref<1x128xi32, #tpu.memory_space<vmem>> -> memref<128xi32, #tpu.memory_space<vmem>>
      %dma_wait3A_248 = tpu.memref_slice %arg2[%add3A_17] : memref<819200xi32, #tpu.memory_space<hbm>> -> memref<128xi32, #tpu.memory_space<hbm>>
      tpu.wait_dma2 semaphore(%run_scoped3A_232 : memref<!tpu.dma_semaphore, #tpu.memory_space<semaphore_mem>>) src(%dma_wait3A_248 : memref<128xi32, #tpu.memory_space<hbm>>) dst(%dma_wait3A_247 : memref<128xi32, #tpu.memory_space<vmem>>)
      tpu.yield
    }) : () -> ()
    %dma_start3A_19 = arith.constant 1 : i32
    %dma_start3A_20 = arith.constant 1 : i32
    %dma_start3A_21 = arith.constant 0 : i32
    %dma_start3A_22 = arith.constant 0 : i32
    %dma_start3A_23 = tpu.memref_slice %arg6[%dma_start3A_20, %dma_start3A_21, %dma_start3A_22] : memref<4x128x128xf32, #tpu.memory_space<vmem>> -> memref<1x128x128xf32, #tpu.memory_space<vmem>>
    %dma_start3A_24 = tpu.memref_squeeze %dma_start3A_23 : memref<1x128x128xf32, #tpu.memory_space<vmem>> -> memref<128x128xf32, #tpu.memory_space<vmem>>
    %dma_start3A_25 = arith.constant 0 : i32
    %dma_start3A_26 = tpu.memref_slice %arg5[%dma_start3A_19, %dma_start3A_25] : memref<4x128xi32, #tpu.memory_space<vmem>> -> memref<1x128xi32, #tpu.memory_space<vmem>>
    %dma_start3A_27 = tpu.memref_squeeze %dma_start3A_26 : memref<1x128xi32, #tpu.memory_space<vmem>> -> memref<128xi32, #tpu.memory_space<vmem>>
    %dma_start3A_28 = arith.constant 0 : i32
    %dma_start3A_29 = arith.constant 0 : i32
    %dma_start3A_30 = tpu.memref_slice %arg3[%dma_start3A_28, %dma_start3A_29] : memref<100001x128xf32, #tpu.memory_space<hbm>> -> memref<100001x128xf32, #tpu.memory_space<hbm>>
    tpu.enqueue_indirect_dma source(%dma_start3A_30 : memref<100001x128xf32, #tpu.memory_space<hbm>>) target(%dma_start3A_24 : memref<128x128xf32, #tpu.memory_space<vmem>>) offsets(%dma_start3A_27 : memref<128xi32, #tpu.memory_space<vmem>>) semaphore(%arg8 : memref<!tpu.dma_semaphore, #tpu.memory_space<semaphore_mem>>)
    %add3A_31 = arith.constant 256 : i32
    %add3A_32 = arith.addi %mul3A_2, %add3A_31 : i32
    %run_scoped3A_33 = arith.constant 2 : i32
    "tpu.region"() ({
      %run_scoped3A_232 = tpu.sem_alloc : memref<!tpu.dma_semaphore, #tpu.memory_space<semaphore_mem>>
      %dma_start3A_233 = arith.constant 0 : i32
      %dma_start3A_234 = tpu.memref_slice %arg5[%run_scoped3A_33, %dma_start3A_233] : memref<4x128xi32, #tpu.memory_space<vmem>> -> memref<1x128xi32, #tpu.memory_space<vmem>>
      %dma_start3A_235 = tpu.memref_squeeze %dma_start3A_234 : memref<1x128xi32, #tpu.memory_space<vmem>> -> memref<128xi32, #tpu.memory_space<vmem>>
      %dma_start3A_236 = tpu.memref_slice %arg2[%add3A_32] : memref<819200xi32, #tpu.memory_space<hbm>> -> memref<128xi32, #tpu.memory_space<hbm>>
      %dma_start3A_237 = arith.constant 0 : i32
      %dma_start3A_238 = tpu.memref_slice %arg5[%run_scoped3A_33, %dma_start3A_237] : memref<4x128xi32, #tpu.memory_space<vmem>> -> memref<1x128xi32, #tpu.memory_space<vmem>>
      %dma_start3A_239 = tpu.memref_squeeze %dma_start3A_238 : memref<1x128xi32, #tpu.memory_space<vmem>> -> memref<128xi32, #tpu.memory_space<vmem>>
      %dma_start3A_240 = tpu.memref_slice %arg2[%add3A_32] : memref<819200xi32, #tpu.memory_space<hbm>> -> memref<128xi32, #tpu.memory_space<hbm>>
      tpu.enqueue_dma source(%dma_start3A_240 : memref<128xi32, #tpu.memory_space<hbm>>) target(%dma_start3A_239 : memref<128xi32, #tpu.memory_space<vmem>>) target_semaphore(%run_scoped3A_232 : memref<!tpu.dma_semaphore, #tpu.memory_space<semaphore_mem>>)
      %dma_wait3A_241 = arith.constant 0 : i32
      %dma_wait3A_242 = tpu.memref_slice %arg5[%run_scoped3A_33, %dma_wait3A_241] : memref<4x128xi32, #tpu.memory_space<vmem>> -> memref<1x128xi32, #tpu.memory_space<vmem>>
      %dma_wait3A_243 = tpu.memref_squeeze %dma_wait3A_242 : memref<1x128xi32, #tpu.memory_space<vmem>> -> memref<128xi32, #tpu.memory_space<vmem>>
      %dma_wait3A_244 = tpu.memref_slice %arg2[%add3A_32] : memref<819200xi32, #tpu.memory_space<hbm>> -> memref<128xi32, #tpu.memory_space<hbm>>
      %dma_wait3A_245 = arith.constant 0 : i32
      %dma_wait3A_246 = tpu.memref_slice %arg5[%run_scoped3A_33, %dma_wait3A_245] : memref<4x128xi32, #tpu.memory_space<vmem>> -> memref<1x128xi32, #tpu.memory_space<vmem>>
      %dma_wait3A_247 = tpu.memref_squeeze %dma_wait3A_246 : memref<1x128xi32, #tpu.memory_space<vmem>> -> memref<128xi32, #tpu.memory_space<vmem>>
      %dma_wait3A_248 = tpu.memref_slice %arg2[%add3A_32] : memref<819200xi32, #tpu.memory_space<hbm>> -> memref<128xi32, #tpu.memory_space<hbm>>
      tpu.wait_dma2 semaphore(%run_scoped3A_232 : memref<!tpu.dma_semaphore, #tpu.memory_space<semaphore_mem>>) src(%dma_wait3A_248 : memref<128xi32, #tpu.memory_space<hbm>>) dst(%dma_wait3A_247 : memref<128xi32, #tpu.memory_space<vmem>>)
      tpu.yield
    }) : () -> ()
    %dma_start3A_34 = arith.constant 2 : i32
    %dma_start3A_35 = arith.constant 2 : i32
    %dma_start3A_36 = arith.constant 0 : i32
    %dma_start3A_37 = arith.constant 0 : i32
    %dma_start3A_38 = tpu.memref_slice %arg6[%dma_start3A_35, %dma_start3A_36, %dma_start3A_37] : memref<4x128x128xf32, #tpu.memory_space<vmem>> -> memref<1x128x128xf32, #tpu.memory_space<vmem>>
    %dma_start3A_39 = tpu.memref_squeeze %dma_start3A_38 : memref<1x128x128xf32, #tpu.memory_space<vmem>> -> memref<128x128xf32, #tpu.memory_space<vmem>>
    %dma_start3A_40 = arith.constant 0 : i32
    %dma_start3A_41 = tpu.memref_slice %arg5[%dma_start3A_34, %dma_start3A_40] : memref<4x128xi32, #tpu.memory_space<vmem>> -> memref<1x128xi32, #tpu.memory_space<vmem>>
    %dma_start3A_42 = tpu.memref_squeeze %dma_start3A_41 : memref<1x128xi32, #tpu.memory_space<vmem>> -> memref<128xi32, #tpu.memory_space<vmem>>
    %dma_start3A_43 = arith.constant 0 : i32
    %dma_start3A_44 = arith.constant 0 : i32
    %dma_start3A_45 = tpu.memref_slice %arg3[%dma_start3A_43, %dma_start3A_44] : memref<100001x128xf32, #tpu.memory_space<hbm>> -> memref<100001x128xf32, #tpu.memory_space<hbm>>
    tpu.enqueue_indirect_dma source(%dma_start3A_45 : memref<100001x128xf32, #tpu.memory_space<hbm>>) target(%dma_start3A_39 : memref<128x128xf32, #tpu.memory_space<vmem>>) offsets(%dma_start3A_42 : memref<128xi32, #tpu.memory_space<vmem>>) semaphore(%arg9 : memref<!tpu.dma_semaphore, #tpu.memory_space<semaphore_mem>>)
    %add3A_46 = arith.constant 384 : i32
    %add3A_47 = arith.addi %mul3A_2, %add3A_46 : i32
    %run_scoped3A_48 = arith.constant 3 : i32
    "tpu.region"() ({
      %run_scoped3A_232 = tpu.sem_alloc : memref<!tpu.dma_semaphore, #tpu.memory_space<semaphore_mem>>
      %dma_start3A_233 = arith.constant 0 : i32
      %dma_start3A_234 = tpu.memref_slice %arg5[%run_scoped3A_48, %dma_start3A_233] : memref<4x128xi32, #tpu.memory_space<vmem>> -> memref<1x128xi32, #tpu.memory_space<vmem>>
      %dma_start3A_235 = tpu.memref_squeeze %dma_start3A_234 : memref<1x128xi32, #tpu.memory_space<vmem>> -> memref<128xi32, #tpu.memory_space<vmem>>
      %dma_start3A_236 = tpu.memref_slice %arg2[%add3A_47] : memref<819200xi32, #tpu.memory_space<hbm>> -> memref<128xi32, #tpu.memory_space<hbm>>
      %dma_start3A_237 = arith.constant 0 : i32
      %dma_start3A_238 = tpu.memref_slice %arg5[%run_scoped3A_48, %dma_start3A_237] : memref<4x128xi32, #tpu.memory_space<vmem>> -> memref<1x128xi32, #tpu.memory_space<vmem>>
      %dma_start3A_239 = tpu.memref_squeeze %dma_start3A_238 : memref<1x128xi32, #tpu.memory_space<vmem>> -> memref<128xi32, #tpu.memory_space<vmem>>
      %dma_start3A_240 = tpu.memref_slice %arg2[%add3A_47] : memref<819200xi32, #tpu.memory_space<hbm>> -> memref<128xi32, #tpu.memory_space<hbm>>
      tpu.enqueue_dma source(%dma_start3A_240 : memref<128xi32, #tpu.memory_space<hbm>>) target(%dma_start3A_239 : memref<128xi32, #tpu.memory_space<vmem>>) target_semaphore(%run_scoped3A_232 : memref<!tpu.dma_semaphore, #tpu.memory_space<semaphore_mem>>)
      %dma_wait3A_241 = arith.constant 0 : i32
      %dma_wait3A_242 = tpu.memref_slice %arg5[%run_scoped3A_48, %dma_wait3A_241] : memref<4x128xi32, #tpu.memory_space<vmem>> -> memref<1x128xi32, #tpu.memory_space<vmem>>
      %dma_wait3A_243 = tpu.memref_squeeze %dma_wait3A_242 : memref<1x128xi32, #tpu.memory_space<vmem>> -> memref<128xi32, #tpu.memory_space<vmem>>
      %dma_wait3A_244 = tpu.memref_slice %arg2[%add3A_47] : memref<819200xi32, #tpu.memory_space<hbm>> -> memref<128xi32, #tpu.memory_space<hbm>>
      %dma_wait3A_245 = arith.constant 0 : i32
      %dma_wait3A_246 = tpu.memref_slice %arg5[%run_scoped3A_48, %dma_wait3A_245] : memref<4x128xi32, #tpu.memory_space<vmem>> -> memref<1x128xi32, #tpu.memory_space<vmem>>
      %dma_wait3A_247 = tpu.memref_squeeze %dma_wait3A_246 : memref<1x128xi32, #tpu.memory_space<vmem>> -> memref<128xi32, #tpu.memory_space<vmem>>
      %dma_wait3A_248 = tpu.memref_slice %arg2[%add3A_47] : memref<819200xi32, #tpu.memory_space<hbm>> -> memref<128xi32, #tpu.memory_space<hbm>>
      tpu.wait_dma2 semaphore(%run_scoped3A_232 : memref<!tpu.dma_semaphore, #tpu.memory_space<semaphore_mem>>) src(%dma_wait3A_248 : memref<128xi32, #tpu.memory_space<hbm>>) dst(%dma_wait3A_247 : memref<128xi32, #tpu.memory_space<vmem>>)
      tpu.yield
    }) : () -> ()
    %dma_start3A_49 = arith.constant 3 : i32
    %dma_start3A_50 = arith.constant 3 : i32
    %dma_start3A_51 = arith.constant 0 : i32
    %dma_start3A_52 = arith.constant 0 : i32
    %dma_start3A_53 = tpu.memref_slice %arg6[%dma_start3A_50, %dma_start3A_51, %dma_start3A_52] : memref<4x128x128xf32, #tpu.memory_space<vmem>> -> memref<1x128x128xf32, #tpu.memory_space<vmem>>
    %dma_start3A_54 = tpu.memref_squeeze %dma_start3A_53 : memref<1x128x128xf32, #tpu.memory_space<vmem>> -> memref<128x128xf32, #tpu.memory_space<vmem>>
    %dma_start3A_55 = arith.constant 0 : i32
    %dma_start3A_56 = tpu.memref_slice %arg5[%dma_start3A_49, %dma_start3A_55] : memref<4x128xi32, #tpu.memory_space<vmem>> -> memref<1x128xi32, #tpu.memory_space<vmem>>
    %dma_start3A_57 = tpu.memref_squeeze %dma_start3A_56 : memref<1x128xi32, #tpu.memory_space<vmem>> -> memref<128xi32, #tpu.memory_space<vmem>>
    %dma_start3A_58 = arith.constant 0 : i32
    %dma_start3A_59 = arith.constant 0 : i32
    %dma_start3A_60 = tpu.memref_slice %arg3[%dma_start3A_58, %dma_start3A_59] : memref<100001x128xf32, #tpu.memory_space<hbm>> -> memref<100001x128xf32, #tpu.memory_space<hbm>>
    tpu.enqueue_indirect_dma source(%dma_start3A_60 : memref<100001x128xf32, #tpu.memory_space<hbm>>) target(%dma_start3A_54 : memref<128x128xf32, #tpu.memory_space<vmem>>) offsets(%dma_start3A_57 : memref<128xi32, #tpu.memory_space<vmem>>) semaphore(%arg10 : memref<!tpu.dma_semaphore, #tpu.memory_space<semaphore_mem>>)
    %scan3A = arith.constant 0 : i32
    %scan3A_61 = arith.constant 49 : i32
    %scan3A_62 = arith.addi %scan3A, %scan3A_61 : i32
    %scan3A_63 = arith.constant 1 : i32
    scf.for %scan3A_232 = %scan3A to %scan3A_62 step %scan3A_63  : i32 {
      %mul3A_233 = arith.constant 1 : i32
      %mul3A_234 = arith.muli %scan3A_232, %mul3A_233 : i32
      %add3A_235 = arith.constant 0 : i32
      %add3A_236 = arith.addi %add3A_235, %mul3A_234 : i32
      %dma_wait3A_237 = arith.constant 0 : i32
      %dma_wait3A_238 = arith.constant 0 : i32
      %dma_wait3A_239 = arith.constant 0 : i32
      %dma_wait3A_240 = arith.constant 0 : i32
      %dma_wait3A_241 = tpu.memref_slice %arg6[%dma_wait3A_238, %dma_wait3A_239, %dma_wait3A_240] : memref<4x128x128xf32, #tpu.memory_space<vmem>> -> memref<1x128x128xf32, #tpu.memory_space<vmem>>
      %dma_wait3A_242 = tpu.memref_squeeze %dma_wait3A_241 : memref<1x128x128xf32, #tpu.memory_space<vmem>> -> memref<128x128xf32, #tpu.memory_space<vmem>>
      %dma_wait3A_243 = arith.constant 0 : i32
      %dma_wait3A_244 = tpu.memref_slice %arg5[%dma_wait3A_237, %dma_wait3A_243] : memref<4x128xi32, #tpu.memory_space<vmem>> -> memref<1x128xi32, #tpu.memory_space<vmem>>
      %dma_wait3A_245 = tpu.memref_squeeze %dma_wait3A_244 : memref<1x128xi32, #tpu.memory_space<vmem>> -> memref<128xi32, #tpu.memory_space<vmem>>
      %dma_wait3A_246 = arith.constant 0 : i32
      %dma_wait3A_247 = arith.constant 0 : i32
      %dma_wait3A_248 = tpu.memref_slice %arg3[%dma_wait3A_246, %dma_wait3A_247] : memref<100001x128xf32, #tpu.memory_space<hbm>> -> memref<100001x128xf32, #tpu.memory_space<hbm>>
      tpu.wait_indirect_dma semaphore(%arg7 : memref<!tpu.dma_semaphore, #tpu.memory_space<semaphore_mem>>) src(%dma_wait3A_248 : memref<100001x128xf32, #tpu.memory_space<hbm>>) dst(%dma_wait3A_242 : memref<128x128xf32, #tpu.memory_space<vmem>>)
      %mul3A_249 = arith.constant 4 : i32
      %mul3A_250 = arith.muli %add3A_236, %mul3A_249 : i32
      %add3A_251 = arith.constant 0 : i32
      %add3A_252 = arith.addi %mul3A_250, %add3A_251 : i32
      %mul3A_253 = arith.constant 128 : i32
      %mul3A_254 = arith.muli %add3A_252, %mul3A_253 : i32
      %add3A_255 = arith.addi %mul3A_2, %mul3A_254 : i32
      %dma_start3A_256 = arith.constant 0 : i32
      %dma_start3A_257 = arith.constant 0 : i32
      %dma_start3A_258 = arith.constant 0 : i32
      %dma_start3A_259 = tpu.memref_slice %arg6[%dma_start3A_256, %dma_start3A_257, %dma_start3A_258] : memref<4x128x128xf32, #tpu.memory_space<vmem>> -> memref<1x128x128xf32, #tpu.memory_space<vmem>>
      %dma_start3A_260 = tpu.memref_squeeze %dma_start3A_259 : memref<1x128x128xf32, #tpu.memory_space<vmem>> -> memref<128x128xf32, #tpu.memory_space<vmem>>
      %dma_start3A_261 = arith.constant 0 : i32
      %dma_start3A_262 = tpu.memref_slice %arg4[%add3A_255, %dma_start3A_261] : memref<819200x128xf32, #tpu.memory_space<hbm>> -> memref<128x128xf32, #tpu.memory_space<hbm>>
      %dma_start3A_263 = arith.constant 0 : i32
      %dma_start3A_264 = tpu.memref_slice %arg4[%add3A_255, %dma_start3A_263] : memref<819200x128xf32, #tpu.memory_space<hbm>> -> memref<128x128xf32, #tpu.memory_space<hbm>>
      %dma_start3A_265 = arith.constant 0 : i32
      %dma_start3A_266 = arith.constant 0 : i32
      %dma_start3A_267 = tpu.memref_slice %arg6[%dma_start3A_256, %dma_start3A_265, %dma_start3A_266] : memref<4x128x128xf32, #tpu.memory_space<vmem>> -> memref<1x128x128xf32, #tpu.memory_space<vmem>>
      %dma_start3A_268 = tpu.memref_squeeze %dma_start3A_267 : memref<1x128x128xf32, #tpu.memory_space<vmem>> -> memref<128x128xf32, #tpu.memory_space<vmem>>
      tpu.enqueue_dma source(%dma_start3A_268 : memref<128x128xf32, #tpu.memory_space<vmem>>) target(%dma_start3A_264 : memref<128x128xf32, #tpu.memory_space<hbm>>) target_semaphore(%arg11 : memref<!tpu.dma_semaphore, #tpu.memory_space<semaphore_mem>>)
      %dma_wait3A_269 = arith.constant 1 : i32
      %dma_wait3A_270 = arith.constant 1 : i32
      %dma_wait3A_271 = arith.constant 0 : i32
      %dma_wait3A_272 = arith.constant 0 : i32
      %dma_wait3A_273 = tpu.memref_slice %arg6[%dma_wait3A_270, %dma_wait3A_271, %dma_wait3A_272] : memref<4x128x128xf32, #tpu.memory_space<vmem>> -> memref<1x128x128xf32, #tpu.memory_space<vmem>>
      %dma_wait3A_274 = tpu.memref_squeeze %dma_wait3A_273 : memref<1x128x128xf32, #tpu.memory_space<vmem>> -> memref<128x128xf32, #tpu.memory_space<vmem>>
      %dma_wait3A_275 = arith.constant 0 : i32
      %dma_wait3A_276 = tpu.memref_slice %arg5[%dma_wait3A_269, %dma_wait3A_275] : memref<4x128xi32, #tpu.memory_space<vmem>> -> memref<1x128xi32, #tpu.memory_space<vmem>>
      %dma_wait3A_277 = tpu.memref_squeeze %dma_wait3A_276 : memref<1x128xi32, #tpu.memory_space<vmem>> -> memref<128xi32, #tpu.memory_space<vmem>>
      %dma_wait3A_278 = arith.constant 0 : i32
      %dma_wait3A_279 = arith.constant 0 : i32
      %dma_wait3A_280 = tpu.memref_slice %arg3[%dma_wait3A_278, %dma_wait3A_279] : memref<100001x128xf32, #tpu.memory_space<hbm>> -> memref<100001x128xf32, #tpu.memory_space<hbm>>
      tpu.wait_indirect_dma semaphore(%arg8 : memref<!tpu.dma_semaphore, #tpu.memory_space<semaphore_mem>>) src(%dma_wait3A_280 : memref<100001x128xf32, #tpu.memory_space<hbm>>) dst(%dma_wait3A_274 : memref<128x128xf32, #tpu.memory_space<vmem>>)
      %mul3A_281 = arith.constant 4 : i32
      %mul3A_282 = arith.muli %add3A_236, %mul3A_281 : i32
      %add3A_283 = arith.constant 1 : i32
      %add3A_284 = arith.addi %mul3A_282, %add3A_283 : i32
      %mul3A_285 = arith.constant 128 : i32
      %mul3A_286 = arith.muli %add3A_284, %mul3A_285 : i32
      %add3A_287 = arith.addi %mul3A_2, %mul3A_286 : i32
      %dma_start3A_288 = arith.constant 1 : i32
      %dma_start3A_289 = arith.constant 0 : i32
      %dma_start3A_290 = arith.constant 0 : i32
      %dma_start3A_291 = tpu.memref_slice %arg6[%dma_start3A_288, %dma_start3A_289, %dma_start3A_290] : memref<4x128x128xf32, #tpu.memory_space<vmem>> -> memref<1x128x128xf32, #tpu.memory_space<vmem>>
      %dma_start3A_292 = tpu.memref_squeeze %dma_start3A_291 : memref<1x128x128xf32, #tpu.memory_space<vmem>> -> memref<128x128xf32, #tpu.memory_space<vmem>>
      %dma_start3A_293 = arith.constant 0 : i32
      %dma_start3A_294 = tpu.memref_slice %arg4[%add3A_287, %dma_start3A_293] : memref<819200x128xf32, #tpu.memory_space<hbm>> -> memref<128x128xf32, #tpu.memory_space<hbm>>
      %dma_start3A_295 = arith.constant 0 : i32
      %dma_start3A_296 = tpu.memref_slice %arg4[%add3A_287, %dma_start3A_295] : memref<819200x128xf32, #tpu.memory_space<hbm>> -> memref<128x128xf32, #tpu.memory_space<hbm>>
      %dma_start3A_297 = arith.constant 0 : i32
      %dma_start3A_298 = arith.constant 0 : i32
      %dma_start3A_299 = tpu.memref_slice %arg6[%dma_start3A_288, %dma_start3A_297, %dma_start3A_298] : memref<4x128x128xf32, #tpu.memory_space<vmem>> -> memref<1x128x128xf32, #tpu.memory_space<vmem>>
      %dma_start3A_300 = tpu.memref_squeeze %dma_start3A_299 : memref<1x128x128xf32, #tpu.memory_space<vmem>> -> memref<128x128xf32, #tpu.memory_space<vmem>>
      tpu.enqueue_dma source(%dma_start3A_300 : memref<128x128xf32, #tpu.memory_space<vmem>>) target(%dma_start3A_296 : memref<128x128xf32, #tpu.memory_space<hbm>>) target_semaphore(%arg12 : memref<!tpu.dma_semaphore, #tpu.memory_space<semaphore_mem>>)
      %dma_wait3A_301 = arith.constant 2 : i32
      %dma_wait3A_302 = arith.constant 2 : i32
      %dma_wait3A_303 = arith.constant 0 : i32
      %dma_wait3A_304 = arith.constant 0 : i32
      %dma_wait3A_305 = tpu.memref_slice %arg6[%dma_wait3A_302, %dma_wait3A_303, %dma_wait3A_304] : memref<4x128x128xf32, #tpu.memory_space<vmem>> -> memref<1x128x128xf32, #tpu.memory_space<vmem>>
      %dma_wait3A_306 = tpu.memref_squeeze %dma_wait3A_305 : memref<1x128x128xf32, #tpu.memory_space<vmem>> -> memref<128x128xf32, #tpu.memory_space<vmem>>
      %dma_wait3A_307 = arith.constant 0 : i32
      %dma_wait3A_308 = tpu.memref_slice %arg5[%dma_wait3A_301, %dma_wait3A_307] : memref<4x128xi32, #tpu.memory_space<vmem>> -> memref<1x128xi32, #tpu.memory_space<vmem>>
      %dma_wait3A_309 = tpu.memref_squeeze %dma_wait3A_308 : memref<1x128xi32, #tpu.memory_space<vmem>> -> memref<128xi32, #tpu.memory_space<vmem>>
      %dma_wait3A_310 = arith.constant 0 : i32
      %dma_wait3A_311 = arith.constant 0 : i32
      %dma_wait3A_312 = tpu.memref_slice %arg3[%dma_wait3A_310, %dma_wait3A_311] : memref<100001x128xf32, #tpu.memory_space<hbm>> -> memref<100001x128xf32, #tpu.memory_space<hbm>>
      tpu.wait_indirect_dma semaphore(%arg9 : memref<!tpu.dma_semaphore, #tpu.memory_space<semaphore_mem>>) src(%dma_wait3A_312 : memref<100001x128xf32, #tpu.memory_space<hbm>>) dst(%dma_wait3A_306 : memref<128x128xf32, #tpu.memory_space<vmem>>)
      %mul3A_313 = arith.constant 4 : i32
      %mul3A_314 = arith.muli %add3A_236, %mul3A_313 : i32
      %add3A_315 = arith.constant 2 : i32
      %add3A_316 = arith.addi %mul3A_314, %add3A_315 : i32
      %mul3A_317 = arith.constant 128 : i32
      %mul3A_318 = arith.muli %add3A_316, %mul3A_317 : i32
      %add3A_319 = arith.addi %mul3A_2, %mul3A_318 : i32
      %dma_start3A_320 = arith.constant 2 : i32
      %dma_start3A_321 = arith.constant 0 : i32
      %dma_start3A_322 = arith.constant 0 : i32
      %dma_start3A_323 = tpu.memref_slice %arg6[%dma_start3A_320, %dma_start3A_321, %dma_start3A_322] : memref<4x128x128xf32, #tpu.memory_space<vmem>> -> memref<1x128x128xf32, #tpu.memory_space<vmem>>
      %dma_start3A_324 = tpu.memref_squeeze %dma_start3A_323 : memref<1x128x128xf32, #tpu.memory_space<vmem>> -> memref<128x128xf32, #tpu.memory_space<vmem>>
      %dma_start3A_325 = arith.constant 0 : i32
      %dma_start3A_326 = tpu.memref_slice %arg4[%add3A_319, %dma_start3A_325] : memref<819200x128xf32, #tpu.memory_space<hbm>> -> memref<128x128xf32, #tpu.memory_space<hbm>>
      %dma_start3A_327 = arith.constant 0 : i32
      %dma_start3A_328 = tpu.memref_slice %arg4[%add3A_319, %dma_start3A_327] : memref<819200x128xf32, #tpu.memory_space<hbm>> -> memref<128x128xf32, #tpu.memory_space<hbm>>
      %dma_start3A_329 = arith.constant 0 : i32
      %dma_start3A_330 = arith.constant 0 : i32
      %dma_start3A_331 = tpu.memref_slice %arg6[%dma_start3A_320, %dma_start3A_329, %dma_start3A_330] : memref<4x128x128xf32, #tpu.memory_space<vmem>> -> memref<1x128x128xf32, #tpu.memory_space<vmem>>
      %dma_start3A_332 = tpu.memref_squeeze %dma_start3A_331 : memref<1x128x128xf32, #tpu.memory_space<vmem>> -> memref<128x128xf32, #tpu.memory_space<vmem>>
      tpu.enqueue_dma source(%dma_start3A_332 : memref<128x128xf32, #tpu.memory_space<vmem>>) target(%dma_start3A_328 : memref<128x128xf32, #tpu.memory_space<hbm>>) target_semaphore(%arg13 : memref<!tpu.dma_semaphore, #tpu.memory_space<semaphore_mem>>)
      %dma_wait3A_333 = arith.constant 3 : i32
      %dma_wait3A_334 = arith.constant 3 : i32
      %dma_wait3A_335 = arith.constant 0 : i32
      %dma_wait3A_336 = arith.constant 0 : i32
      %dma_wait3A_337 = tpu.memref_slice %arg6[%dma_wait3A_334, %dma_wait3A_335, %dma_wait3A_336] : memref<4x128x128xf32, #tpu.memory_space<vmem>> -> memref<1x128x128xf32, #tpu.memory_space<vmem>>
      %dma_wait3A_338 = tpu.memref_squeeze %dma_wait3A_337 : memref<1x128x128xf32, #tpu.memory_space<vmem>> -> memref<128x128xf32, #tpu.memory_space<vmem>>
      %dma_wait3A_339 = arith.constant 0 : i32
      %dma_wait3A_340 = tpu.memref_slice %arg5[%dma_wait3A_333, %dma_wait3A_339] : memref<4x128xi32, #tpu.memory_space<vmem>> -> memref<1x128xi32, #tpu.memory_space<vmem>>
      %dma_wait3A_341 = tpu.memref_squeeze %dma_wait3A_340 : memref<1x128xi32, #tpu.memory_space<vmem>> -> memref<128xi32, #tpu.memory_space<vmem>>
      %dma_wait3A_342 = arith.constant 0 : i32
      %dma_wait3A_343 = arith.constant 0 : i32
      %dma_wait3A_344 = tpu.memref_slice %arg3[%dma_wait3A_342, %dma_wait3A_343] : memref<100001x128xf32, #tpu.memory_space<hbm>> -> memref<100001x128xf32, #tpu.memory_space<hbm>>
      tpu.wait_indirect_dma semaphore(%arg10 : memref<!tpu.dma_semaphore, #tpu.memory_space<semaphore_mem>>) src(%dma_wait3A_344 : memref<100001x128xf32, #tpu.memory_space<hbm>>) dst(%dma_wait3A_338 : memref<128x128xf32, #tpu.memory_space<vmem>>)
      %mul3A_345 = arith.constant 4 : i32
      %mul3A_346 = arith.muli %add3A_236, %mul3A_345 : i32
      %add3A_347 = arith.constant 3 : i32
      %add3A_348 = arith.addi %mul3A_346, %add3A_347 : i32
      %mul3A_349 = arith.constant 128 : i32
      %mul3A_350 = arith.muli %add3A_348, %mul3A_349 : i32
      %add3A_351 = arith.addi %mul3A_2, %mul3A_350 : i32
      %dma_start3A_352 = arith.constant 3 : i32
      %dma_start3A_353 = arith.constant 0 : i32
      %dma_start3A_354 = arith.constant 0 : i32
      %dma_start3A_355 = tpu.memref_slice %arg6[%dma_start3A_352, %dma_start3A_353, %dma_start3A_354] : memref<4x128x128xf32, #tpu.memory_space<vmem>> -> memref<1x128x128xf32, #tpu.memory_space<vmem>>
      %dma_start3A_356 = tpu.memref_squeeze %dma_start3A_355 : memref<1x128x128xf32, #tpu.memory_space<vmem>> -> memref<128x128xf32, #tpu.memory_space<vmem>>
      %dma_start3A_357 = arith.constant 0 : i32
      %dma_start3A_358 = tpu.memref_slice %arg4[%add3A_351, %dma_start3A_357] : memref<819200x128xf32, #tpu.memory_space<hbm>> -> memref<128x128xf32, #tpu.memory_space<hbm>>
      %dma_start3A_359 = arith.constant 0 : i32
      %dma_start3A_360 = tpu.memref_slice %arg4[%add3A_351, %dma_start3A_359] : memref<819200x128xf32, #tpu.memory_space<hbm>> -> memref<128x128xf32, #tpu.memory_space<hbm>>
      %dma_start3A_361 = arith.constant 0 : i32
      %dma_start3A_362 = arith.constant 0 : i32
      %dma_start3A_363 = tpu.memref_slice %arg6[%dma_start3A_352, %dma_start3A_361, %dma_start3A_362] : memref<4x128x128xf32, #tpu.memory_space<vmem>> -> memref<1x128x128xf32, #tpu.memory_space<vmem>>
      %dma_start3A_364 = tpu.memref_squeeze %dma_start3A_363 : memref<1x128x128xf32, #tpu.memory_space<vmem>> -> memref<128x128xf32, #tpu.memory_space<vmem>>
      tpu.enqueue_dma source(%dma_start3A_364 : memref<128x128xf32, #tpu.memory_space<vmem>>) target(%dma_start3A_360 : memref<128x128xf32, #tpu.memory_space<hbm>>) target_semaphore(%arg14 : memref<!tpu.dma_semaphore, #tpu.memory_space<semaphore_mem>>)
      %mul3A_365 = arith.constant 4 : i32
      %mul3A_366 = arith.muli %add3A_236, %mul3A_365 : i32
      %add3A_367 = arith.constant 0 : i32
      %add3A_368 = arith.addi %mul3A_366, %add3A_367 : i32
      %mul3A_369 = arith.constant 128 : i32
      %mul3A_370 = arith.muli %add3A_368, %mul3A_369 : i32
      %add3A_371 = arith.addi %mul3A_2, %mul3A_370 : i32
      %dma_wait3A_372 = arith.constant 0 : i32
      %dma_wait3A_373 = arith.constant 0 : i32
      %dma_wait3A_374 = arith.constant 0 : i32
      %dma_wait3A_375 = tpu.memref_slice %arg6[%dma_wait3A_372, %dma_wait3A_373, %dma_wait3A_374] : memref<4x128x128xf32, #tpu.memory_space<vmem>> -> memref<1x128x128xf32, #tpu.memory_space<vmem>>
      %dma_wait3A_376 = tpu.memref_squeeze %dma_wait3A_375 : memref<1x128x128xf32, #tpu.memory_space<vmem>> -> memref<128x128xf32, #tpu.memory_space<vmem>>
      %dma_wait3A_377 = arith.constant 0 : i32
      %dma_wait3A_378 = tpu.memref_slice %arg4[%add3A_371, %dma_wait3A_377] : memref<819200x128xf32, #tpu.memory_space<hbm>> -> memref<128x128xf32, #tpu.memory_space<hbm>>
      %dma_wait3A_379 = arith.constant 0 : i32
      %dma_wait3A_380 = tpu.memref_slice %arg4[%add3A_371, %dma_wait3A_379] : memref<819200x128xf32, #tpu.memory_space<hbm>> -> memref<128x128xf32, #tpu.memory_space<hbm>>
      %dma_wait3A_381 = arith.constant 0 : i32
      %dma_wait3A_382 = arith.constant 0 : i32
      %dma_wait3A_383 = tpu.memref_slice %arg6[%dma_wait3A_372, %dma_wait3A_381, %dma_wait3A_382] : memref<4x128x128xf32, #tpu.memory_space<vmem>> -> memref<1x128x128xf32, #tpu.memory_space<vmem>>
      %dma_wait3A_384 = tpu.memref_squeeze %dma_wait3A_383 : memref<1x128x128xf32, #tpu.memory_space<vmem>> -> memref<128x128xf32, #tpu.memory_space<vmem>>
      tpu.wait_dma2 semaphore(%arg11 : memref<!tpu.dma_semaphore, #tpu.memory_space<semaphore_mem>>) src(%dma_wait3A_384 : memref<128x128xf32, #tpu.memory_space<vmem>>) dst(%dma_wait3A_380 : memref<128x128xf32, #tpu.memory_space<hbm>>)
      %add3A_385 = arith.constant 1 : i32
      %add3A_386 = arith.addi %add3A_236, %add3A_385 : i32
      %mul3A_387 = arith.constant 4 : i32
      %mul3A_388 = arith.muli %add3A_386, %mul3A_387 : i32
      %add3A_389 = arith.constant 0 : i32
      %add3A_390 = arith.addi %mul3A_388, %add3A_389 : i32
      %mul3A_391 = arith.constant 128 : i32
      %mul3A_392 = arith.muli %add3A_390, %mul3A_391 : i32
      %add3A_393 = arith.addi %mul3A_2, %mul3A_392 : i32
      %run_scoped3A_394 = arith.constant 0 : i32
      "tpu.region"() ({
        %run_scoped3A_533 = tpu.sem_alloc : memref<!tpu.dma_semaphore, #tpu.memory_space<semaphore_mem>>
        %dma_start3A_534 = arith.constant 0 : i32
        %dma_start3A_535 = tpu.memref_slice %arg5[%run_scoped3A_394, %dma_start3A_534] : memref<4x128xi32, #tpu.memory_space<vmem>> -> memref<1x128xi32, #tpu.memory_space<vmem>>
        %dma_start3A_536 = tpu.memref_squeeze %dma_start3A_535 : memref<1x128xi32, #tpu.memory_space<vmem>> -> memref<128xi32, #tpu.memory_space<vmem>>
        %dma_start3A_537 = tpu.memref_slice %arg2[%add3A_393] : memref<819200xi32, #tpu.memory_space<hbm>> -> memref<128xi32, #tpu.memory_space<hbm>>
        %dma_start3A_538 = arith.constant 0 : i32
        %dma_start3A_539 = tpu.memref_slice %arg5[%run_scoped3A_394, %dma_start3A_538] : memref<4x128xi32, #tpu.memory_space<vmem>> -> memref<1x128xi32, #tpu.memory_space<vmem>>
        %dma_start3A_540 = tpu.memref_squeeze %dma_start3A_539 : memref<1x128xi32, #tpu.memory_space<vmem>> -> memref<128xi32, #tpu.memory_space<vmem>>
        %dma_start3A_541 = tpu.memref_slice %arg2[%add3A_393] : memref<819200xi32, #tpu.memory_space<hbm>> -> memref<128xi32, #tpu.memory_space<hbm>>
        tpu.enqueue_dma source(%dma_start3A_541 : memref<128xi32, #tpu.memory_space<hbm>>) target(%dma_start3A_540 : memref<128xi32, #tpu.memory_space<vmem>>) target_semaphore(%run_scoped3A_533 : memref<!tpu.dma_semaphore, #tpu.memory_space<semaphore_mem>>)
        %dma_wait3A_542 = arith.constant 0 : i32
        %dma_wait3A_543 = tpu.memref_slice %arg5[%run_scoped3A_394, %dma_wait3A_542] : memref<4x128xi32, #tpu.memory_space<vmem>> -> memref<1x128xi32, #tpu.memory_space<vmem>>
        %dma_wait3A_544 = tpu.memref_squeeze %dma_wait3A_543 : memref<1x128xi32, #tpu.memory_space<vmem>> -> memref<128xi32, #tpu.memory_space<vmem>>
        %dma_wait3A_545 = tpu.memref_slice %arg2[%add3A_393] : memref<819200xi32, #tpu.memory_space<hbm>> -> memref<128xi32, #tpu.memory_space<hbm>>
        %dma_wait3A_546 = arith.constant 0 : i32
        %dma_wait3A_547 = tpu.memref_slice %arg5[%run_scoped3A_394, %dma_wait3A_546] : memref<4x128xi32, #tpu.memory_space<vmem>> -> memref<1x128xi32, #tpu.memory_space<vmem>>
        %dma_wait3A_548 = tpu.memref_squeeze %dma_wait3A_547 : memref<1x128xi32, #tpu.memory_space<vmem>> -> memref<128xi32, #tpu.memory_space<vmem>>
        %dma_wait3A_549 = tpu.memref_slice %arg2[%add3A_393] : memref<819200xi32, #tpu.memory_space<hbm>> -> memref<128xi32, #tpu.memory_space<hbm>>
        tpu.wait_dma2 semaphore(%run_scoped3A_533 : memref<!tpu.dma_semaphore, #tpu.memory_space<semaphore_mem>>) src(%dma_wait3A_549 : memref<128xi32, #tpu.memory_space<hbm>>) dst(%dma_wait3A_548 : memref<128xi32, #tpu.memory_space<vmem>>)
        tpu.yield
      }) : () -> ()
      %dma_start3A_395 = arith.constant 0 : i32
      %dma_start3A_396 = arith.constant 0 : i32
      %dma_start3A_397 = arith.constant 0 : i32
      %dma_start3A_398 = arith.constant 0 : i32
      %dma_start3A_399 = tpu.memref_slice %arg6[%dma_start3A_396, %dma_start3A_397, %dma_start3A_398] : memref<4x128x128xf32, #tpu.memory_space<vmem>> -> memref<1x128x128xf32, #tpu.memory_space<vmem>>
      %dma_start3A_400 = tpu.memref_squeeze %dma_start3A_399 : memref<1x128x128xf32, #tpu.memory_space<vmem>> -> memref<128x128xf32, #tpu.memory_space<vmem>>
      %dma_start3A_401 = arith.constant 0 : i32
      %dma_start3A_402 = tpu.memref_slice %arg5[%dma_start3A_395, %dma_start3A_401] : memref<4x128xi32, #tpu.memory_space<vmem>> -> memref<1x128xi32, #tpu.memory_space<vmem>>
      %dma_start3A_403 = tpu.memref_squeeze %dma_start3A_402 : memref<1x128xi32, #tpu.memory_space<vmem>> -> memref<128xi32, #tpu.memory_space<vmem>>
      %dma_start3A_404 = arith.constant 0 : i32
      %dma_start3A_405 = arith.constant 0 : i32
      %dma_start3A_406 = tpu.memref_slice %arg3[%dma_start3A_404, %dma_start3A_405] : memref<100001x128xf32, #tpu.memory_space<hbm>> -> memref<100001x128xf32, #tpu.memory_space<hbm>>
      tpu.enqueue_indirect_dma source(%dma_start3A_406 : memref<100001x128xf32, #tpu.memory_space<hbm>>) target(%dma_start3A_400 : memref<128x128xf32, #tpu.memory_space<vmem>>) offsets(%dma_start3A_403 : memref<128xi32, #tpu.memory_space<vmem>>) semaphore(%arg7 : memref<!tpu.dma_semaphore, #tpu.memory_space<semaphore_mem>>)
      %mul3A_407 = arith.constant 4 : i32
      %mul3A_408 = arith.muli %add3A_236, %mul3A_407 : i32
      %add3A_409 = arith.constant 1 : i32
      %add3A_410 = arith.addi %mul3A_408, %add3A_409 : i32
      %mul3A_411 = arith.constant 128 : i32
      %mul3A_412 = arith.muli %add3A_410, %mul3A_411 : i32
      %add3A_413 = arith.addi %mul3A_2, %mul3A_412 : i32
      %dma_wait3A_414 = arith.constant 1 : i32
      %dma_wait3A_415 = arith.constant 0 : i32
      %dma_wait3A_416 = arith.constant 0 : i32
      %dma_wait3A_417 = tpu.memref_slice %arg6[%dma_wait3A_414, %dma_wait3A_415, %dma_wait3A_416] : memref<4x128x128xf32, #tpu.memory_space<vmem>> -> memref<1x128x128xf32, #tpu.memory_space<vmem>>
      %dma_wait3A_418 = tpu.memref_squeeze %dma_wait3A_417 : memref<1x128x128xf32, #tpu.memory_space<vmem>> -> memref<128x128xf32, #tpu.memory_space<vmem>>
      %dma_wait3A_419 = arith.constant 0 : i32
      %dma_wait3A_420 = tpu.memref_slice %arg4[%add3A_413, %dma_wait3A_419] : memref<819200x128xf32, #tpu.memory_space<hbm>> -> memref<128x128xf32, #tpu.memory_space<hbm>>
      %dma_wait3A_421 = arith.constant 0 : i32
      %dma_wait3A_422 = tpu.memref_slice %arg4[%add3A_413, %dma_wait3A_421] : memref<819200x128xf32, #tpu.memory_space<hbm>> -> memref<128x128xf32, #tpu.memory_space<hbm>>
      %dma_wait3A_423 = arith.constant 0 : i32
      %dma_wait3A_424 = arith.constant 0 : i32
      %dma_wait3A_425 = tpu.memref_slice %arg6[%dma_wait3A_414, %dma_wait3A_423, %dma_wait3A_424] : memref<4x128x128xf32, #tpu.memory_space<vmem>> -> memref<1x128x128xf32, #tpu.memory_space<vmem>>
      %dma_wait3A_426 = tpu.memref_squeeze %dma_wait3A_425 : memref<1x128x128xf32, #tpu.memory_space<vmem>> -> memref<128x128xf32, #tpu.memory_space<vmem>>
      tpu.wait_dma2 semaphore(%arg12 : memref<!tpu.dma_semaphore, #tpu.memory_space<semaphore_mem>>) src(%dma_wait3A_426 : memref<128x128xf32, #tpu.memory_space<vmem>>) dst(%dma_wait3A_422 : memref<128x128xf32, #tpu.memory_space<hbm>>)
      %add3A_427 = arith.constant 1 : i32
      %add3A_428 = arith.addi %add3A_236, %add3A_427 : i32
      %mul3A_429 = arith.constant 4 : i32
      %mul3A_430 = arith.muli %add3A_428, %mul3A_429 : i32
      %add3A_431 = arith.constant 1 : i32
      %add3A_432 = arith.addi %mul3A_430, %add3A_431 : i32
      %mul3A_433 = arith.constant 128 : i32
      %mul3A_434 = arith.muli %add3A_432, %mul3A_433 : i32
      %add3A_435 = arith.addi %mul3A_2, %mul3A_434 : i32
      %run_scoped3A_436 = arith.constant 1 : i32
      "tpu.region"() ({
        %run_scoped3A_533 = tpu.sem_alloc : memref<!tpu.dma_semaphore, #tpu.memory_space<semaphore_mem>>
        %dma_start3A_534 = arith.constant 0 : i32
        %dma_start3A_535 = tpu.memref_slice %arg5[%run_scoped3A_436, %dma_start3A_534] : memref<4x128xi32, #tpu.memory_space<vmem>> -> memref<1x128xi32, #tpu.memory_space<vmem>>
        %dma_start3A_536 = tpu.memref_squeeze %dma_start3A_535 : memref<1x128xi32, #tpu.memory_space<vmem>> -> memref<128xi32, #tpu.memory_space<vmem>>
        %dma_start3A_537 = tpu.memref_slice %arg2[%add3A_435] : memref<819200xi32, #tpu.memory_space<hbm>> -> memref<128xi32, #tpu.memory_space<hbm>>
        %dma_start3A_538 = arith.constant 0 : i32
        %dma_start3A_539 = tpu.memref_slice %arg5[%run_scoped3A_436, %dma_start3A_538] : memref<4x128xi32, #tpu.memory_space<vmem>> -> memref<1x128xi32, #tpu.memory_space<vmem>>
        %dma_start3A_540 = tpu.memref_squeeze %dma_start3A_539 : memref<1x128xi32, #tpu.memory_space<vmem>> -> memref<128xi32, #tpu.memory_space<vmem>>
        %dma_start3A_541 = tpu.memref_slice %arg2[%add3A_435] : memref<819200xi32, #tpu.memory_space<hbm>> -> memref<128xi32, #tpu.memory_space<hbm>>
        tpu.enqueue_dma source(%dma_start3A_541 : memref<128xi32, #tpu.memory_space<hbm>>) target(%dma_start3A_540 : memref<128xi32, #tpu.memory_space<vmem>>) target_semaphore(%run_scoped3A_533 : memref<!tpu.dma_semaphore, #tpu.memory_space<semaphore_mem>>)
        %dma_wait3A_542 = arith.constant 0 : i32
        %dma_wait3A_543 = tpu.memref_slice %arg5[%run_scoped3A_436, %dma_wait3A_542] : memref<4x128xi32, #tpu.memory_space<vmem>> -> memref<1x128xi32, #tpu.memory_space<vmem>>
        %dma_wait3A_544 = tpu.memref_squeeze %dma_wait3A_543 : memref<1x128xi32, #tpu.memory_space<vmem>> -> memref<128xi32, #tpu.memory_space<vmem>>
        %dma_wait3A_545 = tpu.memref_slice %arg2[%add3A_435] : memref<819200xi32, #tpu.memory_space<hbm>> -> memref<128xi32, #tpu.memory_space<hbm>>
        %dma_wait3A_546 = arith.constant 0 : i32
        %dma_wait3A_547 = tpu.memref_slice %arg5[%run_scoped3A_436, %dma_wait3A_546] : memref<4x128xi32, #tpu.memory_space<vmem>> -> memref<1x128xi32, #tpu.memory_space<vmem>>
        %dma_wait3A_548 = tpu.memref_squeeze %dma_wait3A_547 : memref<1x128xi32, #tpu.memory_space<vmem>> -> memref<128xi32, #tpu.memory_space<vmem>>
        %dma_wait3A_549 = tpu.memref_slice %arg2[%add3A_435] : memref<819200xi32, #tpu.memory_space<hbm>> -> memref<128xi32, #tpu.memory_space<hbm>>
        tpu.wait_dma2 semaphore(%run_scoped3A_533 : memref<!tpu.dma_semaphore, #tpu.memory_space<semaphore_mem>>) src(%dma_wait3A_549 : memref<128xi32, #tpu.memory_space<hbm>>) dst(%dma_wait3A_548 : memref<128xi32, #tpu.memory_space<vmem>>)
        tpu.yield
      }) : () -> ()
      %dma_start3A_437 = arith.constant 1 : i32
      %dma_start3A_438 = arith.constant 1 : i32
      %dma_start3A_439 = arith.constant 0 : i32
      %dma_start3A_440 = arith.constant 0 : i32
      %dma_start3A_441 = tpu.memref_slice %arg6[%dma_start3A_438, %dma_start3A_439, %dma_start3A_440] : memref<4x128x128xf32, #tpu.memory_space<vmem>> -> memref<1x128x128xf32, #tpu.memory_space<vmem>>
      %dma_start3A_442 = tpu.memref_squeeze %dma_start3A_441 : memref<1x128x128xf32, #tpu.memory_space<vmem>> -> memref<128x128xf32, #tpu.memory_space<vmem>>
      %dma_start3A_443 = arith.constant 0 : i32
      %dma_start3A_444 = tpu.memref_slice %arg5[%dma_start3A_437, %dma_start3A_443] : memref<4x128xi32, #tpu.memory_space<vmem>> -> memref<1x128xi32, #tpu.memory_space<vmem>>
      %dma_start3A_445 = tpu.memref_squeeze %dma_start3A_444 : memref<1x128xi32, #tpu.memory_space<vmem>> -> memref<128xi32, #tpu.memory_space<vmem>>
      %dma_start3A_446 = arith.constant 0 : i32
      %dma_start3A_447 = arith.constant 0 : i32
      %dma_start3A_448 = tpu.memref_slice %arg3[%dma_start3A_446, %dma_start3A_447] : memref<100001x128xf32, #tpu.memory_space<hbm>> -> memref<100001x128xf32, #tpu.memory_space<hbm>>
      tpu.enqueue_indirect_dma source(%dma_start3A_448 : memref<100001x128xf32, #tpu.memory_space<hbm>>) target(%dma_start3A_442 : memref<128x128xf32, #tpu.memory_space<vmem>>) offsets(%dma_start3A_445 : memref<128xi32, #tpu.memory_space<vmem>>) semaphore(%arg8 : memref<!tpu.dma_semaphore, #tpu.memory_space<semaphore_mem>>)
      %mul3A_449 = arith.constant 4 : i32
      %mul3A_450 = arith.muli %add3A_236, %mul3A_449 : i32
      %add3A_451 = arith.constant 2 : i32
      %add3A_452 = arith.addi %mul3A_450, %add3A_451 : i32
      %mul3A_453 = arith.constant 128 : i32
      %mul3A_454 = arith.muli %add3A_452, %mul3A_453 : i32
      %add3A_455 = arith.addi %mul3A_2, %mul3A_454 : i32
      %dma_wait3A_456 = arith.constant 2 : i32
      %dma_wait3A_457 = arith.constant 0 : i32
      %dma_wait3A_458 = arith.constant 0 : i32
      %dma_wait3A_459 = tpu.memref_slice %arg6[%dma_wait3A_456, %dma_wait3A_457, %dma_wait3A_458] : memref<4x128x128xf32, #tpu.memory_space<vmem>> -> memref<1x128x128xf32, #tpu.memory_space<vmem>>
      %dma_wait3A_460 = tpu.memref_squeeze %dma_wait3A_459 : memref<1x128x128xf32, #tpu.memory_space<vmem>> -> memref<128x128xf32, #tpu.memory_space<vmem>>
      %dma_wait3A_461 = arith.constant 0 : i32
      %dma_wait3A_462 = tpu.memref_slice %arg4[%add3A_455, %dma_wait3A_461] : memref<819200x128xf32, #tpu.memory_space<hbm>> -> memref<128x128xf32, #tpu.memory_space<hbm>>
      %dma_wait3A_463 = arith.constant 0 : i32
      %dma_wait3A_464 = tpu.memref_slice %arg4[%add3A_455, %dma_wait3A_463] : memref<819200x128xf32, #tpu.memory_space<hbm>> -> memref<128x128xf32, #tpu.memory_space<hbm>>
      %dma_wait3A_465 = arith.constant 0 : i32
      %dma_wait3A_466 = arith.constant 0 : i32
      %dma_wait3A_467 = tpu.memref_slice %arg6[%dma_wait3A_456, %dma_wait3A_465, %dma_wait3A_466] : memref<4x128x128xf32, #tpu.memory_space<vmem>> -> memref<1x128x128xf32, #tpu.memory_space<vmem>>
      %dma_wait3A_468 = tpu.memref_squeeze %dma_wait3A_467 : memref<1x128x128xf32, #tpu.memory_space<vmem>> -> memref<128x128xf32, #tpu.memory_space<vmem>>
      tpu.wait_dma2 semaphore(%arg13 : memref<!tpu.dma_semaphore, #tpu.memory_space<semaphore_mem>>) src(%dma_wait3A_468 : memref<128x128xf32, #tpu.memory_space<vmem>>) dst(%dma_wait3A_464 : memref<128x128xf32, #tpu.memory_space<hbm>>)
      %add3A_469 = arith.constant 1 : i32
      %add3A_470 = arith.addi %add3A_236, %add3A_469 : i32
      %mul3A_471 = arith.constant 4 : i32
      %mul3A_472 = arith.muli %add3A_470, %mul3A_471 : i32
      %add3A_473 = arith.constant 2 : i32
      %add3A_474 = arith.addi %mul3A_472, %add3A_473 : i32
      %mul3A_475 = arith.constant 128 : i32
      %mul3A_476 = arith.muli %add3A_474, %mul3A_475 : i32
      %add3A_477 = arith.addi %mul3A_2, %mul3A_476 : i32
      %run_scoped3A_478 = arith.constant 2 : i32
      "tpu.region"() ({
        %run_scoped3A_533 = tpu.sem_alloc : memref<!tpu.dma_semaphore, #tpu.memory_space<semaphore_mem>>
        %dma_start3A_534 = arith.constant 0 : i32
        %dma_start3A_535 = tpu.memref_slice %arg5[%run_scoped3A_478, %dma_start3A_534] : memref<4x128xi32, #tpu.memory_space<vmem>> -> memref<1x128xi32, #tpu.memory_space<vmem>>
        %dma_start3A_536 = tpu.memref_squeeze %dma_start3A_535 : memref<1x128xi32, #tpu.memory_space<vmem>> -> memref<128xi32, #tpu.memory_space<vmem>>
        %dma_start3A_537 = tpu.memref_slice %arg2[%add3A_477] : memref<819200xi32, #tpu.memory_space<hbm>> -> memref<128xi32, #tpu.memory_space<hbm>>
        %dma_start3A_538 = arith.constant 0 : i32
        %dma_start3A_539 = tpu.memref_slice %arg5[%run_scoped3A_478, %dma_start3A_538] : memref<4x128xi32, #tpu.memory_space<vmem>> -> memref<1x128xi32, #tpu.memory_space<vmem>>
        %dma_start3A_540 = tpu.memref_squeeze %dma_start3A_539 : memref<1x128xi32, #tpu.memory_space<vmem>> -> memref<128xi32, #tpu.memory_space<vmem>>
        %dma_start3A_541 = tpu.memref_slice %arg2[%add3A_477] : memref<819200xi32, #tpu.memory_space<hbm>> -> memref<128xi32, #tpu.memory_space<hbm>>
        tpu.enqueue_dma source(%dma_start3A_541 : memref<128xi32, #tpu.memory_space<hbm>>) target(%dma_start3A_540 : memref<128xi32, #tpu.memory_space<vmem>>) target_semaphore(%run_scoped3A_533 : memref<!tpu.dma_semaphore, #tpu.memory_space<semaphore_mem>>)
        %dma_wait3A_542 = arith.constant 0 : i32
        %dma_wait3A_543 = tpu.memref_slice %arg5[%run_scoped3A_478, %dma_wait3A_542] : memref<4x128xi32, #tpu.memory_space<vmem>> -> memref<1x128xi32, #tpu.memory_space<vmem>>
        %dma_wait3A_544 = tpu.memref_squeeze %dma_wait3A_543 : memref<1x128xi32, #tpu.memory_space<vmem>> -> memref<128xi32, #tpu.memory_space<vmem>>
        %dma_wait3A_545 = tpu.memref_slice %arg2[%add3A_477] : memref<819200xi32, #tpu.memory_space<hbm>> -> memref<128xi32, #tpu.memory_space<hbm>>
        %dma_wait3A_546 = arith.constant 0 : i32
        %dma_wait3A_547 = tpu.memref_slice %arg5[%run_scoped3A_478, %dma_wait3A_546] : memref<4x128xi32, #tpu.memory_space<vmem>> -> memref<1x128xi32, #tpu.memory_space<vmem>>
        %dma_wait3A_548 = tpu.memref_squeeze %dma_wait3A_547 : memref<1x128xi32, #tpu.memory_space<vmem>> -> memref<128xi32, #tpu.memory_space<vmem>>
        %dma_wait3A_549 = tpu.memref_slice %arg2[%add3A_477] : memref<819200xi32, #tpu.memory_space<hbm>> -> memref<128xi32, #tpu.memory_space<hbm>>
        tpu.wait_dma2 semaphore(%run_scoped3A_533 : memref<!tpu.dma_semaphore, #tpu.memory_space<semaphore_mem>>) src(%dma_wait3A_549 : memref<128xi32, #tpu.memory_space<hbm>>) dst(%dma_wait3A_548 : memref<128xi32, #tpu.memory_space<vmem>>)
        tpu.yield
      }) : () -> ()
      %dma_start3A_479 = arith.constant 2 : i32
      %dma_start3A_480 = arith.constant 2 : i32
      %dma_start3A_481 = arith.constant 0 : i32
      %dma_start3A_482 = arith.constant 0 : i32
      %dma_start3A_483 = tpu.memref_slice %arg6[%dma_start3A_480, %dma_start3A_481, %dma_start3A_482] : memref<4x128x128xf32, #tpu.memory_space<vmem>> -> memref<1x128x128xf32, #tpu.memory_space<vmem>>
      %dma_start3A_484 = tpu.memref_squeeze %dma_start3A_483 : memref<1x128x128xf32, #tpu.memory_space<vmem>> -> memref<128x128xf32, #tpu.memory_space<vmem>>
      %dma_start3A_485 = arith.constant 0 : i32
      %dma_start3A_486 = tpu.memref_slice %arg5[%dma_start3A_479, %dma_start3A_485] : memref<4x128xi32, #tpu.memory_space<vmem>> -> memref<1x128xi32, #tpu.memory_space<vmem>>
      %dma_start3A_487 = tpu.memref_squeeze %dma_start3A_486 : memref<1x128xi32, #tpu.memory_space<vmem>> -> memref<128xi32, #tpu.memory_space<vmem>>
      %dma_start3A_488 = arith.constant 0 : i32
      %dma_start3A_489 = arith.constant 0 : i32
      %dma_start3A_490 = tpu.memref_slice %arg3[%dma_start3A_488, %dma_start3A_489] : memref<100001x128xf32, #tpu.memory_space<hbm>> -> memref<100001x128xf32, #tpu.memory_space<hbm>>
      tpu.enqueue_indirect_dma source(%dma_start3A_490 : memref<100001x128xf32, #tpu.memory_space<hbm>>) target(%dma_start3A_484 : memref<128x128xf32, #tpu.memory_space<vmem>>) offsets(%dma_start3A_487 : memref<128xi32, #tpu.memory_space<vmem>>) semaphore(%arg9 : memref<!tpu.dma_semaphore, #tpu.memory_space<semaphore_mem>>)
      %mul3A_491 = arith.constant 4 : i32
      %mul3A_492 = arith.muli %add3A_236, %mul3A_491 : i32
      %add3A_493 = arith.constant 3 : i32
      %add3A_494 = arith.addi %mul3A_492, %add3A_493 : i32
      %mul3A_495 = arith.constant 128 : i32
      %mul3A_496 = arith.muli %add3A_494, %mul3A_495 : i32
      %add3A_497 = arith.addi %mul3A_2, %mul3A_496 : i32
      %dma_wait3A_498 = arith.constant 3 : i32
      %dma_wait3A_499 = arith.constant 0 : i32
      %dma_wait3A_500 = arith.constant 0 : i32
      %dma_wait3A_501 = tpu.memref_slice %arg6[%dma_wait3A_498, %dma_wait3A_499, %dma_wait3A_500] : memref<4x128x128xf32, #tpu.memory_space<vmem>> -> memref<1x128x128xf32, #tpu.memory_space<vmem>>
      %dma_wait3A_502 = tpu.memref_squeeze %dma_wait3A_501 : memref<1x128x128xf32, #tpu.memory_space<vmem>> -> memref<128x128xf32, #tpu.memory_space<vmem>>
      %dma_wait3A_503 = arith.constant 0 : i32
      %dma_wait3A_504 = tpu.memref_slice %arg4[%add3A_497, %dma_wait3A_503] : memref<819200x128xf32, #tpu.memory_space<hbm>> -> memref<128x128xf32, #tpu.memory_space<hbm>>
      %dma_wait3A_505 = arith.constant 0 : i32
      %dma_wait3A_506 = tpu.memref_slice %arg4[%add3A_497, %dma_wait3A_505] : memref<819200x128xf32, #tpu.memory_space<hbm>> -> memref<128x128xf32, #tpu.memory_space<hbm>>
      %dma_wait3A_507 = arith.constant 0 : i32
      %dma_wait3A_508 = arith.constant 0 : i32
      %dma_wait3A_509 = tpu.memref_slice %arg6[%dma_wait3A_498, %dma_wait3A_507, %dma_wait3A_508] : memref<4x128x128xf32, #tpu.memory_space<vmem>> -> memref<1x128x128xf32, #tpu.memory_space<vmem>>
      %dma_wait3A_510 = tpu.memref_squeeze %dma_wait3A_509 : memref<1x128x128xf32, #tpu.memory_space<vmem>> -> memref<128x128xf32, #tpu.memory_space<vmem>>
      tpu.wait_dma2 semaphore(%arg14 : memref<!tpu.dma_semaphore, #tpu.memory_space<semaphore_mem>>) src(%dma_wait3A_510 : memref<128x128xf32, #tpu.memory_space<vmem>>) dst(%dma_wait3A_506 : memref<128x128xf32, #tpu.memory_space<hbm>>)
      %add3A_511 = arith.constant 1 : i32
      %add3A_512 = arith.addi %add3A_236, %add3A_511 : i32
      %mul3A_513 = arith.constant 4 : i32
      %mul3A_514 = arith.muli %add3A_512, %mul3A_513 : i32
      %add3A_515 = arith.constant 3 : i32
      %add3A_516 = arith.addi %mul3A_514, %add3A_515 : i32
      %mul3A_517 = arith.constant 128 : i32
      %mul3A_518 = arith.muli %add3A_516, %mul3A_517 : i32
      %add3A_519 = arith.addi %mul3A_2, %mul3A_518 : i32
      %run_scoped3A_520 = arith.constant 3 : i32
      "tpu.region"() ({
        %run_scoped3A_533 = tpu.sem_alloc : memref<!tpu.dma_semaphore, #tpu.memory_space<semaphore_mem>>
        %dma_start3A_534 = arith.constant 0 : i32
        %dma_start3A_535 = tpu.memref_slice %arg5[%run_scoped3A_520, %dma_start3A_534] : memref<4x128xi32, #tpu.memory_space<vmem>> -> memref<1x128xi32, #tpu.memory_space<vmem>>
        %dma_start3A_536 = tpu.memref_squeeze %dma_start3A_535 : memref<1x128xi32, #tpu.memory_space<vmem>> -> memref<128xi32, #tpu.memory_space<vmem>>
        %dma_start3A_537 = tpu.memref_slice %arg2[%add3A_519] : memref<819200xi32, #tpu.memory_space<hbm>> -> memref<128xi32, #tpu.memory_space<hbm>>
        %dma_start3A_538 = arith.constant 0 : i32
        %dma_start3A_539 = tpu.memref_slice %arg5[%run_scoped3A_520, %dma_start3A_538] : memref<4x128xi32, #tpu.memory_space<vmem>> -> memref<1x128xi32, #tpu.memory_space<vmem>>
        %dma_start3A_540 = tpu.memref_squeeze %dma_start3A_539 : memref<1x128xi32, #tpu.memory_space<vmem>> -> memref<128xi32, #tpu.memory_space<vmem>>
        %dma_start3A_541 = tpu.memref_slice %arg2[%add3A_519] : memref<819200xi32, #tpu.memory_space<hbm>> -> memref<128xi32, #tpu.memory_space<hbm>>
        tpu.enqueue_dma source(%dma_start3A_541 : memref<128xi32, #tpu.memory_space<hbm>>) target(%dma_start3A_540 : memref<128xi32, #tpu.memory_space<vmem>>) target_semaphore(%run_scoped3A_533 : memref<!tpu.dma_semaphore, #tpu.memory_space<semaphore_mem>>)
        %dma_wait3A_542 = arith.constant 0 : i32
        %dma_wait3A_543 = tpu.memref_slice %arg5[%run_scoped3A_520, %dma_wait3A_542] : memref<4x128xi32, #tpu.memory_space<vmem>> -> memref<1x128xi32, #tpu.memory_space<vmem>>
        %dma_wait3A_544 = tpu.memref_squeeze %dma_wait3A_543 : memref<1x128xi32, #tpu.memory_space<vmem>> -> memref<128xi32, #tpu.memory_space<vmem>>
        %dma_wait3A_545 = tpu.memref_slice %arg2[%add3A_519] : memref<819200xi32, #tpu.memory_space<hbm>> -> memref<128xi32, #tpu.memory_space<hbm>>
        %dma_wait3A_546 = arith.constant 0 : i32
        %dma_wait3A_547 = tpu.memref_slice %arg5[%run_scoped3A_520, %dma_wait3A_546] : memref<4x128xi32, #tpu.memory_space<vmem>> -> memref<1x128xi32, #tpu.memory_space<vmem>>
        %dma_wait3A_548 = tpu.memref_squeeze %dma_wait3A_547 : memref<1x128xi32, #tpu.memory_space<vmem>> -> memref<128xi32, #tpu.memory_space<vmem>>
        %dma_wait3A_549 = tpu.memref_slice %arg2[%add3A_519] : memref<819200xi32, #tpu.memory_space<hbm>> -> memref<128xi32, #tpu.memory_space<hbm>>
        tpu.wait_dma2 semaphore(%run_scoped3A_533 : memref<!tpu.dma_semaphore, #tpu.memory_space<semaphore_mem>>) src(%dma_wait3A_549 : memref<128xi32, #tpu.memory_space<hbm>>) dst(%dma_wait3A_548 : memref<128xi32, #tpu.memory_space<vmem>>)
        tpu.yield
      }) : () -> ()
      %dma_start3A_521 = arith.constant 3 : i32
      %dma_start3A_522 = arith.constant 3 : i32
      %dma_start3A_523 = arith.constant 0 : i32
      %dma_start3A_524 = arith.constant 0 : i32
      %dma_start3A_525 = tpu.memref_slice %arg6[%dma_start3A_522, %dma_start3A_523, %dma_start3A_524] : memref<4x128x128xf32, #tpu.memory_space<vmem>> -> memref<1x128x128xf32, #tpu.memory_space<vmem>>
      %dma_start3A_526 = tpu.memref_squeeze %dma_start3A_525 : memref<1x128x128xf32, #tpu.memory_space<vmem>> -> memref<128x128xf32, #tpu.memory_space<vmem>>
      %dma_start3A_527 = arith.constant 0 : i32
      %dma_start3A_528 = tpu.memref_slice %arg5[%dma_start3A_521, %dma_start3A_527] : memref<4x128xi32, #tpu.memory_space<vmem>> -> memref<1x128xi32, #tpu.memory_space<vmem>>
      %dma_start3A_529 = tpu.memref_squeeze %dma_start3A_528 : memref<1x128xi32, #tpu.memory_space<vmem>> -> memref<128xi32, #tpu.memory_space<vmem>>
      %dma_start3A_530 = arith.constant 0 : i32
      %dma_start3A_531 = arith.constant 0 : i32
      %dma_start3A_532 = tpu.memref_slice %arg3[%dma_start3A_530, %dma_start3A_531] : memref<100001x128xf32, #tpu.memory_space<hbm>> -> memref<100001x128xf32, #tpu.memory_space<hbm>>
      tpu.enqueue_indirect_dma source(%dma_start3A_532 : memref<100001x128xf32, #tpu.memory_space<hbm>>) target(%dma_start3A_526 : memref<128x128xf32, #tpu.memory_space<vmem>>) offsets(%dma_start3A_529 : memref<128xi32, #tpu.memory_space<vmem>>) semaphore(%arg10 : memref<!tpu.dma_semaphore, #tpu.memory_space<semaphore_mem>>)
    }
    %scan3A_64 = arith.constant 49 : i32
    %dma_wait3A = arith.constant 0 : i32
    %dma_wait3A_65 = arith.constant 0 : i32
    %dma_wait3A_66 = arith.constant 0 : i32
    %dma_wait3A_67 = arith.constant 0 : i32
    %dma_wait3A_68 = tpu.memref_slice %arg6[%dma_wait3A_65, %dma_wait3A_66, %dma_wait3A_67] : memref<4x128x128xf32, #tpu.memory_space<vmem>> -> memref<1x128x128xf32, #tpu.memory_space<vmem>>
    %dma_wait3A_69 = tpu.memref_squeeze %dma_wait3A_68 : memref<1x128x128xf32, #tpu.memory_space<vmem>> -> memref<128x128xf32, #tpu.memory_space<vmem>>
    %dma_wait3A_70 = arith.constant 0 : i32
    %dma_wait3A_71 = tpu.memref_slice %arg5[%dma_wait3A, %dma_wait3A_70] : memref<4x128xi32, #tpu.memory_space<vmem>> -> memref<1x128xi32, #tpu.memory_space<vmem>>
    %dma_wait3A_72 = tpu.memref_squeeze %dma_wait3A_71 : memref<1x128xi32, #tpu.memory_space<vmem>> -> memref<128xi32, #tpu.memory_space<vmem>>
    %dma_wait3A_73 = arith.constant 0 : i32
    %dma_wait3A_74 = arith.constant 0 : i32
    %dma_wait3A_75 = tpu.memref_slice %arg3[%dma_wait3A_73, %dma_wait3A_74] : memref<100001x128xf32, #tpu.memory_space<hbm>> -> memref<100001x128xf32, #tpu.memory_space<hbm>>
    tpu.wait_indirect_dma semaphore(%arg7 : memref<!tpu.dma_semaphore, #tpu.memory_space<semaphore_mem>>) src(%dma_wait3A_75 : memref<100001x128xf32, #tpu.memory_space<hbm>>) dst(%dma_wait3A_69 : memref<128x128xf32, #tpu.memory_space<vmem>>)
    %add3A_76 = arith.constant 25088 : i32
    %add3A_77 = arith.addi %mul3A_2, %add3A_76 : i32
    %dma_start3A_78 = arith.constant 0 : i32
    %dma_start3A_79 = arith.constant 0 : i32
    %dma_start3A_80 = arith.constant 0 : i32
    %dma_start3A_81 = tpu.memref_slice %arg6[%dma_start3A_78, %dma_start3A_79, %dma_start3A_80] : memref<4x128x128xf32, #tpu.memory_space<vmem>> -> memref<1x128x128xf32, #tpu.memory_space<vmem>>
    %dma_start3A_82 = tpu.memref_squeeze %dma_start3A_81 : memref<1x128x128xf32, #tpu.memory_space<vmem>> -> memref<128x128xf32, #tpu.memory_space<vmem>>
    %dma_start3A_83 = arith.constant 0 : i32
    %dma_start3A_84 = tpu.memref_slice %arg4[%add3A_77, %dma_start3A_83] : memref<819200x128xf32, #tpu.memory_space<hbm>> -> memref<128x128xf32, #tpu.memory_space<hbm>>
    %dma_start3A_85 = arith.constant 0 : i32
    %dma_start3A_86 = tpu.memref_slice %arg4[%add3A_77, %dma_start3A_85] : memref<819200x128xf32, #tpu.memory_space<hbm>> -> memref<128x128xf32, #tpu.memory_space<hbm>>
    %dma_start3A_87 = arith.constant 0 : i32
    %dma_start3A_88 = arith.constant 0 : i32
    %dma_start3A_89 = tpu.memref_slice %arg6[%dma_start3A_78, %dma_start3A_87, %dma_start3A_88] : memref<4x128x128xf32, #tpu.memory_space<vmem>> -> memref<1x128x128xf32, #tpu.memory_space<vmem>>
    %dma_start3A_90 = tpu.memref_squeeze %dma_start3A_89 : memref<1x128x128xf32, #tpu.memory_space<vmem>> -> memref<128x128xf32, #tpu.memory_space<vmem>>
    tpu.enqueue_dma source(%dma_start3A_90 : memref<128x128xf32, #tpu.memory_space<vmem>>) target(%dma_start3A_86 : memref<128x128xf32, #tpu.memory_space<hbm>>) target_semaphore(%arg11 : memref<!tpu.dma_semaphore, #tpu.memory_space<semaphore_mem>>)
    %dma_wait3A_91 = arith.constant 1 : i32
    %dma_wait3A_92 = arith.constant 1 : i32
    %dma_wait3A_93 = arith.constant 0 : i32
    %dma_wait3A_94 = arith.constant 0 : i32
    %dma_wait3A_95 = tpu.memref_slice %arg6[%dma_wait3A_92, %dma_wait3A_93, %dma_wait3A_94] : memref<4x128x128xf32, #tpu.memory_space<vmem>> -> memref<1x128x128xf32, #tpu.memory_space<vmem>>
    %dma_wait3A_96 = tpu.memref_squeeze %dma_wait3A_95 : memref<1x128x128xf32, #tpu.memory_space<vmem>> -> memref<128x128xf32, #tpu.memory_space<vmem>>
    %dma_wait3A_97 = arith.constant 0 : i32
    %dma_wait3A_98 = tpu.memref_slice %arg5[%dma_wait3A_91, %dma_wait3A_97] : memref<4x128xi32, #tpu.memory_space<vmem>> -> memref<1x128xi32, #tpu.memory_space<vmem>>
    %dma_wait3A_99 = tpu.memref_squeeze %dma_wait3A_98 : memref<1x128xi32, #tpu.memory_space<vmem>> -> memref<128xi32, #tpu.memory_space<vmem>>
    %dma_wait3A_100 = arith.constant 0 : i32
    %dma_wait3A_101 = arith.constant 0 : i32
    %dma_wait3A_102 = tpu.memref_slice %arg3[%dma_wait3A_100, %dma_wait3A_101] : memref<100001x128xf32, #tpu.memory_space<hbm>> -> memref<100001x128xf32, #tpu.memory_space<hbm>>
    tpu.wait_indirect_dma semaphore(%arg8 : memref<!tpu.dma_semaphore, #tpu.memory_space<semaphore_mem>>) src(%dma_wait3A_102 : memref<100001x128xf32, #tpu.memory_space<hbm>>) dst(%dma_wait3A_96 : memref<128x128xf32, #tpu.memory_space<vmem>>)
    %add3A_103 = arith.constant 25216 : i32
    %add3A_104 = arith.addi %mul3A_2, %add3A_103 : i32
    %dma_start3A_105 = arith.constant 1 : i32
    %dma_start3A_106 = arith.constant 0 : i32
    %dma_start3A_107 = arith.constant 0 : i32
    %dma_start3A_108 = tpu.memref_slice %arg6[%dma_start3A_105, %dma_start3A_106, %dma_start3A_107] : memref<4x128x128xf32, #tpu.memory_space<vmem>> -> memref<1x128x128xf32, #tpu.memory_space<vmem>>
    %dma_start3A_109 = tpu.memref_squeeze %dma_start3A_108 : memref<1x128x128xf32, #tpu.memory_space<vmem>> -> memref<128x128xf32, #tpu.memory_space<vmem>>
    %dma_start3A_110 = arith.constant 0 : i32
    %dma_start3A_111 = tpu.memref_slice %arg4[%add3A_104, %dma_start3A_110] : memref<819200x128xf32, #tpu.memory_space<hbm>> -> memref<128x128xf32, #tpu.memory_space<hbm>>
    %dma_start3A_112 = arith.constant 0 : i32
    %dma_start3A_113 = tpu.memref_slice %arg4[%add3A_104, %dma_start3A_112] : memref<819200x128xf32, #tpu.memory_space<hbm>> -> memref<128x128xf32, #tpu.memory_space<hbm>>
    %dma_start3A_114 = arith.constant 0 : i32
    %dma_start3A_115 = arith.constant 0 : i32
    %dma_start3A_116 = tpu.memref_slice %arg6[%dma_start3A_105, %dma_start3A_114, %dma_start3A_115] : memref<4x128x128xf32, #tpu.memory_space<vmem>> -> memref<1x128x128xf32, #tpu.memory_space<vmem>>
    %dma_start3A_117 = tpu.memref_squeeze %dma_start3A_116 : memref<1x128x128xf32, #tpu.memory_space<vmem>> -> memref<128x128xf32, #tpu.memory_space<vmem>>
    tpu.enqueue_dma source(%dma_start3A_117 : memref<128x128xf32, #tpu.memory_space<vmem>>) target(%dma_start3A_113 : memref<128x128xf32, #tpu.memory_space<hbm>>) target_semaphore(%arg12 : memref<!tpu.dma_semaphore, #tpu.memory_space<semaphore_mem>>)
    %dma_wait3A_118 = arith.constant 2 : i32
    %dma_wait3A_119 = arith.constant 2 : i32
    %dma_wait3A_120 = arith.constant 0 : i32
    %dma_wait3A_121 = arith.constant 0 : i32
    %dma_wait3A_122 = tpu.memref_slice %arg6[%dma_wait3A_119, %dma_wait3A_120, %dma_wait3A_121] : memref<4x128x128xf32, #tpu.memory_space<vmem>> -> memref<1x128x128xf32, #tpu.memory_space<vmem>>
    %dma_wait3A_123 = tpu.memref_squeeze %dma_wait3A_122 : memref<1x128x128xf32, #tpu.memory_space<vmem>> -> memref<128x128xf32, #tpu.memory_space<vmem>>
    %dma_wait3A_124 = arith.constant 0 : i32
    %dma_wait3A_125 = tpu.memref_slice %arg5[%dma_wait3A_118, %dma_wait3A_124] : memref<4x128xi32, #tpu.memory_space<vmem>> -> memref<1x128xi32, #tpu.memory_space<vmem>>
    %dma_wait3A_126 = tpu.memref_squeeze %dma_wait3A_125 : memref<1x128xi32, #tpu.memory_space<vmem>> -> memref<128xi32, #tpu.memory_space<vmem>>
    %dma_wait3A_127 = arith.constant 0 : i32
    %dma_wait3A_128 = arith.constant 0 : i32
    %dma_wait3A_129 = tpu.memref_slice %arg3[%dma_wait3A_127, %dma_wait3A_128] : memref<100001x128xf32, #tpu.memory_space<hbm>> -> memref<100001x128xf32, #tpu.memory_space<hbm>>
    tpu.wait_indirect_dma semaphore(%arg9 : memref<!tpu.dma_semaphore, #tpu.memory_space<semaphore_mem>>) src(%dma_wait3A_129 : memref<100001x128xf32, #tpu.memory_space<hbm>>) dst(%dma_wait3A_123 : memref<128x128xf32, #tpu.memory_space<vmem>>)
    %add3A_130 = arith.constant 25344 : i32
    %add3A_131 = arith.addi %mul3A_2, %add3A_130 : i32
    %dma_start3A_132 = arith.constant 2 : i32
    %dma_start3A_133 = arith.constant 0 : i32
    %dma_start3A_134 = arith.constant 0 : i32
    %dma_start3A_135 = tpu.memref_slice %arg6[%dma_start3A_132, %dma_start3A_133, %dma_start3A_134] : memref<4x128x128xf32, #tpu.memory_space<vmem>> -> memref<1x128x128xf32, #tpu.memory_space<vmem>>
    %dma_start3A_136 = tpu.memref_squeeze %dma_start3A_135 : memref<1x128x128xf32, #tpu.memory_space<vmem>> -> memref<128x128xf32, #tpu.memory_space<vmem>>
    %dma_start3A_137 = arith.constant 0 : i32
    %dma_start3A_138 = tpu.memref_slice %arg4[%add3A_131, %dma_start3A_137] : memref<819200x128xf32, #tpu.memory_space<hbm>> -> memref<128x128xf32, #tpu.memory_space<hbm>>
    %dma_start3A_139 = arith.constant 0 : i32
    %dma_start3A_140 = tpu.memref_slice %arg4[%add3A_131, %dma_start3A_139] : memref<819200x128xf32, #tpu.memory_space<hbm>> -> memref<128x128xf32, #tpu.memory_space<hbm>>
    %dma_start3A_141 = arith.constant 0 : i32
    %dma_start3A_142 = arith.constant 0 : i32
    %dma_start3A_143 = tpu.memref_slice %arg6[%dma_start3A_132, %dma_start3A_141, %dma_start3A_142] : memref<4x128x128xf32, #tpu.memory_space<vmem>> -> memref<1x128x128xf32, #tpu.memory_space<vmem>>
    %dma_start3A_144 = tpu.memref_squeeze %dma_start3A_143 : memref<1x128x128xf32, #tpu.memory_space<vmem>> -> memref<128x128xf32, #tpu.memory_space<vmem>>
    tpu.enqueue_dma source(%dma_start3A_144 : memref<128x128xf32, #tpu.memory_space<vmem>>) target(%dma_start3A_140 : memref<128x128xf32, #tpu.memory_space<hbm>>) target_semaphore(%arg13 : memref<!tpu.dma_semaphore, #tpu.memory_space<semaphore_mem>>)
    %dma_wait3A_145 = arith.constant 3 : i32
    %dma_wait3A_146 = arith.constant 3 : i32
    %dma_wait3A_147 = arith.constant 0 : i32
    %dma_wait3A_148 = arith.constant 0 : i32
    %dma_wait3A_149 = tpu.memref_slice %arg6[%dma_wait3A_146, %dma_wait3A_147, %dma_wait3A_148] : memref<4x128x128xf32, #tpu.memory_space<vmem>> -> memref<1x128x128xf32, #tpu.memory_space<vmem>>
    %dma_wait3A_150 = tpu.memref_squeeze %dma_wait3A_149 : memref<1x128x128xf32, #tpu.memory_space<vmem>> -> memref<128x128xf32, #tpu.memory_space<vmem>>
    %dma_wait3A_151 = arith.constant 0 : i32
    %dma_wait3A_152 = tpu.memref_slice %arg5[%dma_wait3A_145, %dma_wait3A_151] : memref<4x128xi32, #tpu.memory_space<vmem>> -> memref<1x128xi32, #tpu.memory_space<vmem>>
    %dma_wait3A_153 = tpu.memref_squeeze %dma_wait3A_152 : memref<1x128xi32, #tpu.memory_space<vmem>> -> memref<128xi32, #tpu.memory_space<vmem>>
    %dma_wait3A_154 = arith.constant 0 : i32
    %dma_wait3A_155 = arith.constant 0 : i32
    %dma_wait3A_156 = tpu.memref_slice %arg3[%dma_wait3A_154, %dma_wait3A_155] : memref<100001x128xf32, #tpu.memory_space<hbm>> -> memref<100001x128xf32, #tpu.memory_space<hbm>>
    tpu.wait_indirect_dma semaphore(%arg10 : memref<!tpu.dma_semaphore, #tpu.memory_space<semaphore_mem>>) src(%dma_wait3A_156 : memref<100001x128xf32, #tpu.memory_space<hbm>>) dst(%dma_wait3A_150 : memref<128x128xf32, #tpu.memory_space<vmem>>)
    %add3A_157 = arith.constant 25472 : i32
    %add3A_158 = arith.addi %mul3A_2, %add3A_157 : i32
    %dma_start3A_159 = arith.constant 3 : i32
    %dma_start3A_160 = arith.constant 0 : i32
    %dma_start3A_161 = arith.constant 0 : i32
    %dma_start3A_162 = tpu.memref_slice %arg6[%dma_start3A_159, %dma_start3A_160, %dma_start3A_161] : memref<4x128x128xf32, #tpu.memory_space<vmem>> -> memref<1x128x128xf32, #tpu.memory_space<vmem>>
    %dma_start3A_163 = tpu.memref_squeeze %dma_start3A_162 : memref<1x128x128xf32, #tpu.memory_space<vmem>> -> memref<128x128xf32, #tpu.memory_space<vmem>>
    %dma_start3A_164 = arith.constant 0 : i32
    %dma_start3A_165 = tpu.memref_slice %arg4[%add3A_158, %dma_start3A_164] : memref<819200x128xf32, #tpu.memory_space<hbm>> -> memref<128x128xf32, #tpu.memory_space<hbm>>
    %dma_start3A_166 = arith.constant 0 : i32
    %dma_start3A_167 = tpu.memref_slice %arg4[%add3A_158, %dma_start3A_166] : memref<819200x128xf32, #tpu.memory_space<hbm>> -> memref<128x128xf32, #tpu.memory_space<hbm>>
    %dma_start3A_168 = arith.constant 0 : i32
    %dma_start3A_169 = arith.constant 0 : i32
    %dma_start3A_170 = tpu.memref_slice %arg6[%dma_start3A_159, %dma_start3A_168, %dma_start3A_169] : memref<4x128x128xf32, #tpu.memory_space<vmem>> -> memref<1x128x128xf32, #tpu.memory_space<vmem>>
    %dma_start3A_171 = tpu.memref_squeeze %dma_start3A_170 : memref<1x128x128xf32, #tpu.memory_space<vmem>> -> memref<128x128xf32, #tpu.memory_space<vmem>>
    tpu.enqueue_dma source(%dma_start3A_171 : memref<128x128xf32, #tpu.memory_space<vmem>>) target(%dma_start3A_167 : memref<128x128xf32, #tpu.memory_space<hbm>>) target_semaphore(%arg14 : memref<!tpu.dma_semaphore, #tpu.memory_space<semaphore_mem>>)
    %add3A_172 = arith.constant 25088 : i32
    %add3A_173 = arith.addi %mul3A_2, %add3A_172 : i32
    %dma_wait3A_174 = arith.constant 0 : i32
    %dma_wait3A_175 = arith.constant 0 : i32
    %dma_wait3A_176 = arith.constant 0 : i32
    %dma_wait3A_177 = tpu.memref_slice %arg6[%dma_wait3A_174, %dma_wait3A_175, %dma_wait3A_176] : memref<4x128x128xf32, #tpu.memory_space<vmem>> -> memref<1x128x128xf32, #tpu.memory_space<vmem>>
    %dma_wait3A_178 = tpu.memref_squeeze %dma_wait3A_177 : memref<1x128x128xf32, #tpu.memory_space<vmem>> -> memref<128x128xf32, #tpu.memory_space<vmem>>
    %dma_wait3A_179 = arith.constant 0 : i32
    %dma_wait3A_180 = tpu.memref_slice %arg4[%add3A_173, %dma_wait3A_179] : memref<819200x128xf32, #tpu.memory_space<hbm>> -> memref<128x128xf32, #tpu.memory_space<hbm>>
    %dma_wait3A_181 = arith.constant 0 : i32
    %dma_wait3A_182 = tpu.memref_slice %arg4[%add3A_173, %dma_wait3A_181] : memref<819200x128xf32, #tpu.memory_space<hbm>> -> memref<128x128xf32, #tpu.memory_space<hbm>>
    %dma_wait3A_183 = arith.constant 0 : i32
    %dma_wait3A_184 = arith.constant 0 : i32
    %dma_wait3A_185 = tpu.memref_slice %arg6[%dma_wait3A_174, %dma_wait3A_183, %dma_wait3A_184] : memref<4x128x128xf32, #tpu.memory_space<vmem>> -> memref<1x128x128xf32, #tpu.memory_space<vmem>>
    %dma_wait3A_186 = tpu.memref_squeeze %dma_wait3A_185 : memref<1x128x128xf32, #tpu.memory_space<vmem>> -> memref<128x128xf32, #tpu.memory_space<vmem>>
    tpu.wait_dma2 semaphore(%arg11 : memref<!tpu.dma_semaphore, #tpu.memory_space<semaphore_mem>>) src(%dma_wait3A_186 : memref<128x128xf32, #tpu.memory_space<vmem>>) dst(%dma_wait3A_182 : memref<128x128xf32, #tpu.memory_space<hbm>>)
    %add3A_187 = arith.constant 25216 : i32
    %add3A_188 = arith.addi %mul3A_2, %add3A_187 : i32
    %dma_wait3A_189 = arith.constant 1 : i32
    %dma_wait3A_190 = arith.constant 0 : i32
    %dma_wait3A_191 = arith.constant 0 : i32
    %dma_wait3A_192 = tpu.memref_slice %arg6[%dma_wait3A_189, %dma_wait3A_190, %dma_wait3A_191] : memref<4x128x128xf32, #tpu.memory_space<vmem>> -> memref<1x128x128xf32, #tpu.memory_space<vmem>>
    %dma_wait3A_193 = tpu.memref_squeeze %dma_wait3A_192 : memref<1x128x128xf32, #tpu.memory_space<vmem>> -> memref<128x128xf32, #tpu.memory_space<vmem>>
    %dma_wait3A_194 = arith.constant 0 : i32
    %dma_wait3A_195 = tpu.memref_slice %arg4[%add3A_188, %dma_wait3A_194] : memref<819200x128xf32, #tpu.memory_space<hbm>> -> memref<128x128xf32, #tpu.memory_space<hbm>>
    %dma_wait3A_196 = arith.constant 0 : i32
    %dma_wait3A_197 = tpu.memref_slice %arg4[%add3A_188, %dma_wait3A_196] : memref<819200x128xf32, #tpu.memory_space<hbm>> -> memref<128x128xf32, #tpu.memory_space<hbm>>
    %dma_wait3A_198 = arith.constant 0 : i32
    %dma_wait3A_199 = arith.constant 0 : i32
    %dma_wait3A_200 = tpu.memref_slice %arg6[%dma_wait3A_189, %dma_wait3A_198, %dma_wait3A_199] : memref<4x128x128xf32, #tpu.memory_space<vmem>> -> memref<1x128x128xf32, #tpu.memory_space<vmem>>
    %dma_wait3A_201 = tpu.memref_squeeze %dma_wait3A_200 : memref<1x128x128xf32, #tpu.memory_space<vmem>> -> memref<128x128xf32, #tpu.memory_space<vmem>>
    tpu.wait_dma2 semaphore(%arg12 : memref<!tpu.dma_semaphore, #tpu.memory_space<semaphore_mem>>) src(%dma_wait3A_201 : memref<128x128xf32, #tpu.memory_space<vmem>>) dst(%dma_wait3A_197 : memref<128x128xf32, #tpu.memory_space<hbm>>)
    %add3A_202 = arith.constant 25344 : i32
    %add3A_203 = arith.addi %mul3A_2, %add3A_202 : i32
    %dma_wait3A_204 = arith.constant 2 : i32
    %dma_wait3A_205 = arith.constant 0 : i32
    %dma_wait3A_206 = arith.constant 0 : i32
    %dma_wait3A_207 = tpu.memref_slice %arg6[%dma_wait3A_204, %dma_wait3A_205, %dma_wait3A_206] : memref<4x128x128xf32, #tpu.memory_space<vmem>> -> memref<1x128x128xf32, #tpu.memory_space<vmem>>
    %dma_wait3A_208 = tpu.memref_squeeze %dma_wait3A_207 : memref<1x128x128xf32, #tpu.memory_space<vmem>> -> memref<128x128xf32, #tpu.memory_space<vmem>>
    %dma_wait3A_209 = arith.constant 0 : i32
    %dma_wait3A_210 = tpu.memref_slice %arg4[%add3A_203, %dma_wait3A_209] : memref<819200x128xf32, #tpu.memory_space<hbm>> -> memref<128x128xf32, #tpu.memory_space<hbm>>
    %dma_wait3A_211 = arith.constant 0 : i32
    %dma_wait3A_212 = tpu.memref_slice %arg4[%add3A_203, %dma_wait3A_211] : memref<819200x128xf32, #tpu.memory_space<hbm>> -> memref<128x128xf32, #tpu.memory_space<hbm>>
    %dma_wait3A_213 = arith.constant 0 : i32
    %dma_wait3A_214 = arith.constant 0 : i32
    %dma_wait3A_215 = tpu.memref_slice %arg6[%dma_wait3A_204, %dma_wait3A_213, %dma_wait3A_214] : memref<4x128x128xf32, #tpu.memory_space<vmem>> -> memref<1x128x128xf32, #tpu.memory_space<vmem>>
    %dma_wait3A_216 = tpu.memref_squeeze %dma_wait3A_215 : memref<1x128x128xf32, #tpu.memory_space<vmem>> -> memref<128x128xf32, #tpu.memory_space<vmem>>
    tpu.wait_dma2 semaphore(%arg13 : memref<!tpu.dma_semaphore, #tpu.memory_space<semaphore_mem>>) src(%dma_wait3A_216 : memref<128x128xf32, #tpu.memory_space<vmem>>) dst(%dma_wait3A_212 : memref<128x128xf32, #tpu.memory_space<hbm>>)
    %add3A_217 = arith.constant 25472 : i32
    %add3A_218 = arith.addi %mul3A_2, %add3A_217 : i32
    %dma_wait3A_219 = arith.constant 3 : i32
    %dma_wait3A_220 = arith.constant 0 : i32
    %dma_wait3A_221 = arith.constant 0 : i32
    %dma_wait3A_222 = tpu.memref_slice %arg6[%dma_wait3A_219, %dma_wait3A_220, %dma_wait3A_221] : memref<4x128x128xf32, #tpu.memory_space<vmem>> -> memref<1x128x128xf32, #tpu.memory_space<vmem>>
    %dma_wait3A_223 = tpu.memref_squeeze %dma_wait3A_222 : memref<1x128x128xf32, #tpu.memory_space<vmem>> -> memref<128x128xf32, #tpu.memory_space<vmem>>
    %dma_wait3A_224 = arith.constant 0 : i32
    %dma_wait3A_225 = tpu.memref_slice %arg4[%add3A_218, %dma_wait3A_224] : memref<819200x128xf32, #tpu.memory_space<hbm>> -> memref<128x128xf32, #tpu.memory_space<hbm>>
    %dma_wait3A_226 = arith.constant 0 : i32
    %dma_wait3A_227 = tpu.memref_slice %arg4[%add3A_218, %dma_wait3A_226] : memref<819200x128xf32, #tpu.memory_space<hbm>> -> memref<128x128xf32, #tpu.memory_space<hbm>>
    %dma_wait3A_228 = arith.constant 0 : i32
    %dma_wait3A_229 = arith.constant 0 : i32
    %dma_wait3A_230 = tpu.memref_slice %arg6[%dma_wait3A_219, %dma_wait3A_228, %dma_wait3A_229] : memref<4x128x128xf32, #tpu.memory_space<vmem>> -> memref<1x128x128xf32, #tpu.memory_space<vmem>>
    %dma_wait3A_231 = tpu.memref_squeeze %dma_wait3A_230 : memref<1x128x128xf32, #tpu.memory_space<vmem>> -> memref<128x128xf32, #tpu.memory_space<vmem>>
    tpu.wait_dma2 semaphore(%arg14 : memref<!tpu.dma_semaphore, #tpu.memory_space<semaphore_mem>>) src(%dma_wait3A_231 : memref<128x128xf32, #tpu.memory_space<vmem>>) dst(%dma_wait3A_227 : memref<128x128xf32, #tpu.memory_space<hbm>>)
    return
  }
}

</mosaic_0001>

<sc_bundles>
// kernel: kernel.3.cloned.1.call-start
scs
__scs_entry_jumppad:
0x0: {  	(pc) =	sbr.rel $0x88, $3  }
0x1: {  	(tag) =	ssettag $0x0;
	lr =	simm.s32 $0x1  }
0x2: {  	[smem:$0x3F9F] =	sst lr;
	_ =	strace $0xD0000000  }
0x3: {  	_ = 	snop  }
0x4: {  	_ = 	snop  }
0x5: {  	_ = 	snop  }
0x6: {  	_ = 	snop  }
0x7: {  	_ = 	snop  }
__scs_overlays_trampoline_lowered:
0x8: {  	[smem:$0x3FAE] =	sst s0  }
0x9: {  	[smem:$0x3FAF] =	sst s1  }
0xa: {  	[smem:$0x3FB0] =	sst s2  }
0xb: {  	[smem:$0x3FB1] =	sst s3  }
0xc: {  	[smem:$0x3FB2] =	sst s4  }
0xd: {  	[smem:$0x3FB3] =	sst s5  }
0xe: {  	[smem:$0x3FB4] =	sst s6  }
0xf: {  	[smem:$0x3FB5] =	sst s7  }
0x10: {  	[smem:$0x3FB6] =	sst s8  }
0x11: {  	[smem:$0x3FB7] =	sst s9;
	s0 =	simm.s32 @!p0 $0x0  }
0x12: {  	s1 =	sld [smem:$0x3F9D];
	s0 =	simm.s32 @p0 $0x1  }
0x13: {  	[smem:$0x3FB8] =	sst s0;
	s0 =	simm.s32 @!p1 $0x0  }
0x14: {  	s2 =	sld [smem:$0x3F9C];
	s0 =	simm.s32 @p1 $0x1  }
0x15: {  	[smem:$0x3FB9] =	sst s0;
	s0 =	simm.s32 @!p2 $0x0  }
0x16: {  	s3 =	sld [smem:$0x3FDB];
	s0 =	simm.s32 @p2 $0x1  }
0x17: {  	s4 =	simm.s32 $0x1BF5;
	[smem:$0x3FBB] =	sst s0  }
0x18: {  	s0 =	sld [smem:$0x3F9E];
	_ =	swait.ge [sflag:s4], $0x0  }
0x19: {  	s7 =	sld [smem:$0x3F9F]  }
0x1a: {  	s8 =	sadd.s32 $0xFFFFE003, lr  }
0x1b: {  	s9 =	sadd.s32 $0xFFFFFEF7, lr;
	s5 =	simm.s32 $0xFFFFFFFF;
	p2 =	slt.u32 s8, $0xFFFFF086  }
0x1c: {  	p1 =	slt.u32 s9, $0xF7A;
	s5 =	simm.s32 @!p2 $0x0  }
0x1d: {  	s5 =	simm.s32 @p1 $0x1;
	p0 =	seq.s32 s7, s2  }
0x1e: {  	s7 =	smul.u32 @!p0 $0xF7A, s2;
	p2 =	seq.s32 @!p0 s5, $0x0  }
0x1f: {  	s9 =	smul.u32 $0xF7A, s1;
	s8 =	simm.s32 @!p0 $0x1BF5;
	p2 =	por !p2, p0  }
0x20: {  	[sflag:s8] =	ssyncset.s32 @!p0 $0xFFFFF086;
	s6 =	sadd.s32 @!p0 s3, s7;
	s7 =	simm.s32 @!p0 $0x108  }
0x21: {  	s3 =	sadd.s32 s3, s9;
	s6 =	sadd.s32 @!p0 $0x88, s6;
	s7 =	simm.s32 @p2 $0x1082  }
0x22: {  	[simem:s7], [sflag:s8] =	dma.local @!p0 [hbm:s6], $0xF7A  }
0x23: {  	s9 =	sor.u32 $0xD0000000, s2;
	s6 =	simm.s32 $0x108;
	_ =	swait.ge @!p0 [sflag:s8], $0x0  }
0x24: {  	s3 =	sadd.s32 $0x88, s3;
	s6 =	simm.s32 @!p1 $0x1082;
	[sflag:s4] =	ssyncset.s32 $0xFFFFF086  }
0x25: {  	[simem:s6], [sflag:s4] =	dma.local [hbm:s3], $0xF7A  }
0x26: {  	[smem:$0x3F9F] =	sst s1;
	(tag) =	ssettag s2;
	_ =	strace s9  }
0x27: {  	s1 =	sld [smem:$0x3FAF]  }
0x28: {  	s2 =	sld [smem:$0x3FB0]  }
0x29: {  	s4 =	sld [smem:$0x3FB2]  }
0x2a: {  	p0 =	seq.s32 s5, $0x0;
	s5 =	sld [smem:$0x3FB3]  }
0x2b: {  	s6 =	sld [smem:$0x3FB4]  }
0x2c: {  	s7 =	sld [smem:$0x3FB5]  }
0x2d: {  	s3 =	simm.s32 $0x108;
	s8 =	sld [smem:$0x3FB6]  }
0x2e: {  	s3 =	simm.s32 @!p0 $0x1082;
	s9 =	sld [smem:$0x3FB7]  }
0x2f: {  	lr =	sadd.s32 s0, s3;
	s0 =	sld [smem:$0x3FAE]  }
0x30: {  	s3 =	sld [smem:$0x3FB1]  }
0x31: {  	[smem:$0x3FBA] =	sst s10  }
0x32: {  	s10 =	sld [smem:$0x3FB8];
	_ =	sdelay $0x3  }
0x33: {  	p0 =	seq.s32 s10, $0x1;
	s10 =	sld [smem:$0x3FBA];
	_ =	sdelay $0x3  }
0x34: {  	[smem:$0x3FBA] =	sst s10  }
0x35: {  	s10 =	sld [smem:$0x3FB9];
	_ =	sdelay $0x3  }
0x36: {  	p1 =	seq.s32 s10, $0x1;
	s10 =	sld [smem:$0x3FBA];
	_ =	sdelay $0x3  }
0x37: {  	[smem:$0x3FBA] =	sst s10  }
0x38: {  	s10 =	sld [smem:$0x3FBB]  }
0x39: {  	_ = 	snop;
	(pc) =	sbr.ind lr, $3  }
0x3a: {  	_ = 	snop  }
0x3b: {  	_ = 	snop  }
0x3c: {  	p2 =	seq.s32 s10, $0x1;
	s10 =	sld [smem:$0x3FBA]  }
0x3d: {  	_ =	shalt  }
0x3e: {  	_ =	shalt  }
0x3f: {  	_ =	shalt  }
0x40: {  	_ =	shalt  }
0x41: {  	_ =	shalt  }
0x42: {  	_ =	shalt  }
0x43: {  	_ =	shalt  }
0x44: {  	_ =	shalt  }
0x45: {  	_ =	shalt  }
0x46: {  	_ =	shalt  }
0x47: {  	_ =	shalt  }
0x48: {  	_ =	shalt  }
0x49: {  	_ =	shalt  }
0x4a: {  	_ =	shalt  }
0x4b: {  	_ =	shalt  }
0x4c: {  	_ =	shalt  }
0x4d: {  	_ =	shalt  }
0x4e: {  	_ =	shalt  }
0x4f: {  	_ =	shalt  }
0x50: {  	_ =	shalt  }
0x51: {  	_ =	shalt  }
0x52: {  	_ =	shalt  }
0x53: {  	_ =	shalt  }
0x54: {  	_ =	shalt  }
0x55: {  	_ =	shalt  }
0x56: {  	_ =	shalt  }
0x57: {  	_ =	shalt  }
0x58: {  	_ =	shalt  }
0x59: {  	_ =	shalt  }
0x5a: {  	_ =	shalt  }
0x5b: {  	_ =	shalt  }
0x5c: {  	_ =	shalt  }
0x5d: {  	_ =	shalt  }
0x5e: {  	_ =	shalt  }
0x5f: {  	_ =	shalt  }
0x60: {  	_ =	shalt  }
0x61: {  	_ =	shalt  }
0x62: {  	_ =	shalt  }
0x63: {  	_ =	shalt  }
0x64: {  	_ =	shalt  }
0x65: {  	_ =	shalt  }
0x66: {  	_ =	shalt  }
0x67: {  	_ =	shalt  }
0x68: {  	_ =	shalt  }
0x69: {  	_ =	shalt  }
0x6a: {  	_ =	shalt  }
0x6b: {  	_ =	shalt  }
0x6c: {  	_ =	shalt  }
0x6d: {  	_ =	shalt  }
0x6e: {  	_ =	shalt  }
0x6f: {  	_ =	shalt  }
0x70: {  	_ =	shalt  }
0x71: {  	_ =	shalt  }
0x72: {  	_ =	shalt  }
0x73: {  	_ =	shalt  }
0x74: {  	_ =	shalt  }
0x75: {  	_ =	shalt  }
0x76: {  	_ =	shalt  }
0x77: {  	_ =	shalt  }
0x78: {  	_ =	shalt  }
0x79: {  	_ =	shalt  }
0x7a: {  	_ =	shalt  }
0x7b: {  	_ =	shalt  }
0x7c: {  	_ =	shalt  }
0x7d: {  	_ =	shalt  }
0x7e: {  	_ =	shalt  }
0x7f: {  	_ =	shalt  }
0x80: {  	_ =	shalt  }
0x81: {  	_ =	shalt  }
0x82: {  	_ =	shalt  }
0x83: {  	_ =	shalt  }
0x84: {  	_ =	shalt  }
0x85: {  	_ =	shalt  }
0x86: {  	_ =	shalt  }
0x87: {  	_ =	shalt  }
.Lfunc_end0:
.L_simem_size_0:
called_computation_lowered:
.L_overlay_start_0:
0x88: {  	s2 =	sld [smem:$0x3FD9]  }
0x89: {  	s3 =	sld [smem:$0x3FFE];
	_ =	sdelay $0x1  }
0x8a: {  	s1 =	srdreg.scid  }
0x8b: {  	s0 =	sand.u32 $0x1, s1  }
0x8c: {  	s17 =	sshll.u32 s0, $0xA;
	s2 =	sadd.s32 s3, s2  }
0x8d: {  	s2 =	sadd.s32 s2, s17  }
0x8e: {  	[smem:$0x3FC6] =	sst s2  }
0x8f: {  	_ = 	snop  }
0x90: {  	s2 =	sld [smem:$0x3FC8]  }
0x91: {  	s18 =	sld [smem:$0x3FD0];
	(tm) =	ssettm $0x1  }
0x92: {  	s4 =	sld [smem:$0x3FFB];
	_ =	sdelay $0x3  }
0x93: {  	_ =	strace s4  }
0x94: {  	s4 =	sld [smem:$0x3FFC];
	_ =	sdelay $0x3  }
0x95: {  	_ =	strace s4  }
0x96: {  	s4 =	sld [smem:$0x3FFD];
	_ =	sdelay $0x3  }
0x97: {  	_ =	strace s4  }
0x98: {  	_ =	strace $0x8FFFFFFF  }
0x99: {  	s19 =	sld [smem:$0x3FDB];
	_ =	sdelay $0x1  }
0x9a: {  	s5 =	simm.s32 $_scs_section_size  }
0x9b: {  	s6 =	simm.s32 $_size__tile_overlayer_lowered;
	s7 =	simm.s32 $_tile_overlayer_lowered  }
0x9c: {  	s22 =	simm.s32 $0x1BFF;
	s21 =	sshll.u32 s7, $0x1;
	s4 =	sadd.s32 s5, s19  }
0x9d: {  	s8 =	simm.s32 $0x0;
	s20 =	sshll.u32 s6, $0x1;
	s6 =	sadd.s32 s21, s4  }
0x9e: {  	[timem:s8], [sflag:s22] =	dma.local [hbm:s6], s20  }
0x9f: {  	_ =	swait.ge [sflag:s22], s20  }
0xa0: {  	s5 =	ssub.s32 $0x0, s20;
	[sflag:s22] =	ssyncset.done $0x0  }
0xa1: {  	[sflag:s22] =	ssyncadd.s32 s5;
	_ =	sdelay $0x1  }
0xa2: {  	s23 =	simm.s32 $0x1B8B  }
0xa3: {  	_ =	swait.ge [sflag:s23], $0x1  }
0xa4: {  	[sflag:s23] =	ssyncset.done $0x0  }
0xa5: {  	s25 =	simm.s32 $0x1B8E;
	s24 =	sld [smem:$0x3FFE];
	[sflag:s23] =	ssyncadd.s32 $0xFFFFFFFF  }
0xa6: {  	s26 =	simm.s32 $execute0_lowered;
	[smem:$0x3FD2] =	sst s25  }
0xa7: {  	s6 =	sshll.u32 s26, $0x1;
	_ =	strace $0x80000046;
	[dreg:$0x1] =	wrdreg $0xFFFFFFFF  }
0xa8: {  	s28 =	simm.s32 $_size_execute0_lowered;
	s4 =	sadd.s32 s4, s6;
	[dreg:$0x0] =	wrdreg $0x0  }
0xa9: {  	s6 =	sshll.u32 s28, $0x1;
	[dreg:$0x2] =	wrdreg s4  }
0xaa: {  	[dreg:$0x3] =	wrdreg s6  }
0xab: {  	[dreg:$0x4] =	wrdreg $0xC0  }
0xac: {  	_ =	task [dreg:s8], $0x5FFFF  }
0xad: {  	[dreg:$0x1] =	wrdreg $0xFFFFFFFF  }
0xae: {  	[dreg:$0x0] =	wrdreg $0x60  }
0xaf: {  	[dreg:$0x2] =	wrdreg s24  }
0xb0: {  	[dreg:$0x3] =	wrdreg s2  }
0xb1: {  	[dreg:$0x4] =	wrdreg s18  }
0xb2: {  	[dreg:$0x5] =	wrdreg $0x9  }
0xb3: {  	_ =	task.clear_ibuf [dreg:s8], $0x6FFFF;
	_ =	strace $0x90000046  }
0xb4: {  	s29 =	simm.s32 $0x9;
	_ =	strace $0x80000048  }
0xb5: {  	_ =	swait.ge [sflag:s29], $0x1  }
0xb6: {  	[sflag:s29] =	ssyncadd.s32 $0xFFFFFFFF  }
0xb7: {  	_ =	strace $0x90000048  }
0xb8: {  	_ =	sfence  }
0xb9: {  	s30 =	sld [smem:$0x0];
	_ =	sdelay $0x2  }
0xba: {  	s31 =	sshll.u32 s1, $0xD;
	s1 =	sshrl.u32 s1, $0x2  }
0xbb: {  	s3 =	sand.u32 $0x4000, s31;
	s1 =	sadd.s32 s1, s30  }
0xbc: {  	s0 =	sor.u32 s3, s0;
	s1 =	sshll.u32 s1, $0x11  }
0xbd: {  	s0 =	sor.u32 s1, s0  }
0xbe: {  	s0 =	sadd.s32 $0x8F2B, s0  }
0xbf: {  	[sflag:s0] =	ssyncadd.remote.s32 $0x1  }
0xc0: {  	_ =	sfence.sel $0xFFFF  }
0xc1: {  	[dreg:$0x0] =	wrdreg $0xFFFFFFFF;
	(pc) =	sbr.abs _section_cstart, $3  }
0xc2: {  	[dreg:$0x1] =	wrdreg $0xFFFFFFFF  }
0xc3: {  	_ =	task.clear_ibuf [dreg:s8], $0x2FFFF;
	_ =	strace $0x9FFFFFFF  }
0xc4: {  	(tm) =	ssettm $0x7FFFFFFF  }
0xc5: {  	_ =	shalt  }
tec
execute0_lowered:
.L_overlay_start_1:
0x0: {  	(tag) =	ssettag $0x1  }
0x1: {  	s0 =	rddreg [dreg:$0x0]  }
0x2: {  	s2 =	rddreg [dreg:$0x1];
	s11 =	stileid.u32  }
0x3: {  	s1 =	srdreg.scid;
	s26 =	smul.u32 $0x640000, s11  }
0x4: {  	s5 =	rddreg [dreg:$0x2];
	s3 =	simm.s32 $0x0;
	s15 =	smul.u32 $0xC800, s11  }
0x5: {  	s28 =	simm.s32 $0x3;
	s1 =	sand.u32 $0x1, s1;
	s24 =	smul.u32 $0xC8000, s11  }
0x6: {  	s29 =	simm.s32 $0x4;
	s30 =	simm.s32 $0x5;
	s14 =	smul.u32 $0x320000, s1  }
0x7: {  	s31 =	simm.s32 $0x6;
	s4 =	sshll.u32 s11, $0x1;
	s13 =	smul.u32 $0x6400, s1  }
0x8: {  	s6 =	sor.u32 s1, s4;
	s7 =	ssub.s32 $0x2, s1;
	s1 =	smul.u32 $0x64000, s1  }
0x9: {  	[smem:$0x7FF] =	sst s3;
	s0 =	sadd.s32 $0x400, s0;
	s4 =	smul.u32 $0x6400, s6  }
0xa: {  	_ =	strace $0x80000047;
	s8 =	sshrl.u32 s7, $0x1;
	s6 =	smul.u32 $0x320000, s6  }
0xb: {  	s7 =	ssub.s32 s7, s8;
	s18 =	sadd.s32 s14, s26;
	s19 =	sadd.s32 s13, s15  }
0xc: {  	s4 =	sshrl.u32 s4, $0x3;
	s6 =	sshrl.u32 s6, $0x3;
	s7 =	smax.u32 s7, $0x1  }
0xd: {  	s20 =	sor.u32 $0x380, s19;
	s21 =	sor.u32 $0x300, s19;
	s4 =	sadd.s32 s0, s4  }
0xe: {  	s6 =	sadd.s32 s5, s6;
	[dreg:$0xd] =	wrdreg s7;
	s22 =	sshrl.u32 s20, $0x3  }
0xf: {  	s23 =	sshrl.u32 s21, $0x3;
	s7 =	sor.u32 $0x200, s19;
	s25 =	sadd.s32 $0x10, s4  }
0x10: {  	s20 =	simm.s32 $0x4200;
	s9 =	sadd.s32 $0x20, s4;
	[dreg:$0x6] =	wrdreg s25  }
0x11: {  	s21 =	simm.s32 $0x100;
	s10 =	sadd.s32 $0x30, s4;
	[dreg:$0x7] =	wrdreg s9  }
0x12: {  	s12 =	sadd.s32 $0x62000, s6;
	s16 =	sadd.s32 $0x62800, s6;
	[dreg:$0x8] =	wrdreg s10  }
0x13: {  	s17 =	sadd.s32 $0x63000, s6;
	s6 =	sadd.s32 $0x63800, s6;
	[dreg:$0x9] =	wrdreg s12  }
0x14: {  	s13 =	sadd.s32 s22, s0;
	s14 =	sadd.s32 s23, s0;
	[dreg:$0xa] =	wrdreg s16  }
0x15: {  	s7 =	sshrl.u32 s7, $0x3;
	s22 =	simm.s32 $0x8200;
	[dreg:$0xb] =	wrdreg s17  }
0x16: {  	s23 =	simm.s32 $0x180;
	[dreg:$0xc] =	wrdreg s6;
	s6 =	sshrl.u32 s18, $0x3  }
0x17: {  	s25 =	sor.u32 $0x280, s19;
	s16 =	sadd.s32 s7, s0;
	s17 =	simm.s32 $0x9  }
0x18: {  	s18 =	simm.s32 $0x80;
	s19 =	simm.s32 $0x200;
	s6 =	sadd.s32 s6, s5  }
0x19: {  	s8 =	sshrl.u32 s25, $0x3;
	s5 =	sadd.s32 s24, s5;
	s24 =	simm.s32 $0xC200  }
0x1a: {  	s25 =	simm.s32 $0x1;
	[dreg:$0x4] =	wrdreg s6;
	s15 =	sadd.s32 s8, s0  }
0x1b: {  	s26 =	sadd.s32 s1, s5;
	s1 =	simm.s32 $0x7;
	s0 =	simm.s32 $0x8  }
0x1c: {  	s5 =	simm.s32 $0x0;
	[dreg:$0x5] =	wrdreg s26;
	s26 =	simm.s32 $0x2  }
.LBB2_1:
0x1d: {  	[tilespmem:s3], [sflag:$0x9] =	stream.linear.gather [hbm4b:s4+s3], $0x80, $0x38;
	[tilespmem:$0x10200] =	vst v63  }
0x1e: {  	_ =	swait.ge [sflag:s17], $0x80  }
0x1f: {  	[sflag:s17] =	ssyncset.done $0x0  }
0x20: {  	[sflag:s17] =	ssyncadd.s32 $0xFFFFFF80  }
0x21: {  	[tilespmem:s19], [sflag:$0x1] =	stream.indirect.gather [hbm4b:s2+s18], $0x80, s3, s18, $0xb8;
	[tilespmem:$0x10200] =	vst v63  }
0x22: {  	s6 =	rddreg [dreg:$0x6]  }
0x23: {  	[tilespmem:s18], [sflag:$0x9] =	stream.linear.gather [hbm4b:s6+s3], $0x80, $0x38;
	[tilespmem:$0x10200] =	vst v63  }
0x24: {  	_ =	swait.ge [sflag:s17], $0x80  }
0x25: {  	[sflag:s17] =	ssyncset.done $0x0  }
0x26: {  	[sflag:s17] =	ssyncadd.s32 $0xFFFFFF80  }
0x27: {  	[tilespmem:s20], [sflag:$0x2] =	stream.indirect.gather [hbm4b:s2+s18], $0x80, s18, s18, $0xb8;
	[tilespmem:$0x10200] =	vst v63  }
0x28: {  	s8 =	rddreg [dreg:$0x7]  }
0x29: {  	[tilespmem:s21], [sflag:$0x9] =	stream.linear.gather [hbm4b:s8+s3], $0x80, $0x38;
	[tilespmem:$0x10200] =	vst v63  }
0x2a: {  	_ =	swait.ge [sflag:s17], $0x80  }
0x2b: {  	[sflag:s17] =	ssyncset.done $0x0  }
0x2c: {  	[sflag:s17] =	ssyncadd.s32 $0xFFFFFF80  }
0x2d: {  	[tilespmem:s22], [sflag:$0x3] =	stream.indirect.gather [hbm4b:s2+s18], $0x80, s21, s18, $0xb8;
	[tilespmem:$0x10200] =	vst v63  }
0x2e: {  	s9 =	rddreg [dreg:$0x8]  }
0x2f: {  	[tilespmem:s23], [sflag:$0x9] =	stream.linear.gather [hbm4b:s9+s3], $0x80, $0x38;
	[tilespmem:$0x10200] =	vst v63  }
0x30: {  	_ =	swait.ge [sflag:s17], $0x80  }
0x31: {  	[sflag:s17] =	ssyncset.done $0x0  }
0x32: {  	[sflag:s17] =	ssyncadd.s32 $0xFFFFFF80  }
0x33: {  	[tilespmem:s24], [sflag:$0x4] =	stream.indirect.gather [hbm4b:s2+s18], $0x80, s23, s18, $0xb8;
	[tilespmem:$0x10200] =	vst v63  }
0x34: {  	_ =	swait.ge [sflag:s25], $0x4000  }
0x35: {  	s10 =	rddreg [dreg:$0x4];
	[sflag:s25] =	ssyncset.done $0x0  }
0x36: {  	[sflag:s25] =	ssyncadd.s32 $0xFFFFC000;
	s6 =	sadd.s32 $0x0, s10  }
0x37: {  	[hbm4b:s6+s3] =	stream.linear.scatter [tilespmem:s19], [sflag:$0x5], $0x4000, $0x38;
	[tilespmem:$0x10200] =	vst v63  }
0x38: {  	_ =	swait.ge [sflag:s26], $0x4000  }
0x39: {  	s11 =	rddreg [dreg:$0x5]  }
0x3a: {  	[sflag:s26] =	ssyncset.done $0x0;
	s6 =	sadd.s32 $0x0, s11  }
0x3b: {  	[sflag:s26] =	ssyncadd.s32 $0xFFFFC000;
	s7 =	sadd.s32 $0x800, s6  }
0x3c: {  	[hbm4b:s7+s3] =	stream.linear.scatter [tilespmem:s20], [sflag:$0x6], $0x4000, $0x38;
	[tilespmem:$0x10200] =	vst v63  }
0x3d: {  	_ =	swait.ge [sflag:s28], $0x4000  }
0x3e: {  	[sflag:s28] =	ssyncset.done $0x0  }
0x3f: {  	s12 =	sadd.s32 $0x1000, s6;
	[sflag:s28] =	ssyncadd.s32 $0xFFFFC000  }
0x40: {  	[hbm4b:s12+s3] =	stream.linear.scatter [tilespmem:s22], [sflag:$0x7], $0x4000, $0x38;
	[tilespmem:$0x10200] =	vst v63  }
0x41: {  	_ =	swait.ge [sflag:s29], $0x4000  }
0x42: {  	[sflag:s29] =	ssyncset.done $0x0  }
0x43: {  	s6 =	sadd.s32 $0x1800, s6;
	[sflag:s29] =	ssyncadd.s32 $0xFFFFC000  }
0x44: {  	[hbm4b:s6+s3] =	stream.linear.scatter [tilespmem:s24], [sflag:$0x8], $0x4000, $0x38;
	[tilespmem:$0x10200] =	vst v63  }
0x45: {  	_ =	swait.ge [sflag:s30], $0x4000  }
0x46: {  	[sflag:s30] =	ssyncset.done $0x0  }
0x47: {  	[sflag:s30] =	ssyncadd.s32 $0xFFFFC000  }
0x48: {  	[tilespmem:s3], [sflag:$0x9] =	stream.linear.gather [hbm4b:s16+s3], $0x80, $0x38;
	[tilespmem:$0x10200] =	vst v63  }
0x49: {  	_ =	swait.ge [sflag:s17], $0x80  }
0x4a: {  	[sflag:s17] =	ssyncset.done $0x0  }
0x4b: {  	[sflag:s17] =	ssyncadd.s32 $0xFFFFFF80  }
0x4c: {  	[tilespmem:s19], [sflag:$0x1] =	stream.indirect.gather [hbm4b:s2+s18], $0x80, s3, s18, $0xb8;
	[tilespmem:$0x10200] =	vst v63  }
0x4d: {  	_ =	swait.ge [sflag:s31], $0x4000  }
0x4e: {  	[sflag:s31] =	ssyncset.done $0x0  }
0x4f: {  	[sflag:s31] =	ssyncadd.s32 $0xFFFFC000  }
0x50: {  	[tilespmem:s18], [sflag:$0x9] =	stream.linear.gather [hbm4b:s15+s3], $0x80, $0x38;
	[tilespmem:$0x10200] =	vst v63  }
0x51: {  	_ =	swait.ge [sflag:s17], $0x80  }
0x52: {  	[sflag:s17] =	ssyncset.done $0x0  }
0x53: {  	[sflag:s17] =	ssyncadd.s32 $0xFFFFFF80  }
0x54: {  	[tilespmem:s20], [sflag:$0x2] =	stream.indirect.gather [hbm4b:s2+s18], $0x80, s18, s18, $0xb8;
	[tilespmem:$0x10200] =	vst v63  }
0x55: {  	_ =	swait.ge [sflag:s1], $0x4000  }
0x56: {  	[sflag:s1] =	ssyncset.done $0x0  }
0x57: {  	[sflag:s1] =	ssyncadd.s32 $0xFFFFC000  }
0x58: {  	[tilespmem:s21], [sflag:$0x9] =	stream.linear.gather [hbm4b:s14+s3], $0x80, $0x38;
	[tilespmem:$0x10200] =	vst v63  }
0x59: {  	_ =	swait.ge [sflag:s17], $0x80  }
0x5a: {  	[sflag:s17] =	ssyncset.done $0x0  }
0x5b: {  	[sflag:s17] =	ssyncadd.s32 $0xFFFFFF80  }
0x5c: {  	[tilespmem:s22], [sflag:$0x3] =	stream.indirect.gather [hbm4b:s2+s18], $0x80, s21, s18, $0xb8;
	[tilespmem:$0x10200] =	vst v63  }
0x5d: {  	_ =	swait.ge [sflag:s0], $0x4000  }
0x5e: {  	[sflag:s0] =	ssyncset.done $0x0  }
0x5f: {  	[sflag:s0] =	ssyncadd.s32 $0xFFFFC000  }
0x60: {  	[tilespmem:s23], [sflag:$0x9] =	stream.linear.gather [hbm4b:s13+s3], $0x80, $0x38;
	[tilespmem:$0x10200] =	vst v63  }
0x61: {  	s8 =	sadd.s32 $0x40, s16;
	_ =	swait.ge [sflag:s17], $0x80  }
0x62: {  	s9 =	sadd.s32 $0x40, s13;
	s10 =	sadd.s32 $0x40, s14;
	[sflag:s17] =	ssyncset.done $0x0  }
0x63: {  	s7 =	sadd.s32 $0x40, s15;
	s6 =	simm.s32 $0x2000;
	[sflag:s17] =	ssyncadd.s32 $0xFFFFFF80  }
.LBB2_2:
0x64: {  	[tilespmem:s24], [sflag:$0x4] =	stream.indirect.gather [hbm4b:s2+s18], $0x80, s23, s18, $0xb8;
	[tilespmem:$0x10200] =	vst v63  }
0x65: {  	_ =	swait.ge [sflag:s25], $0x4000  }
0x66: {  	s11 =	smov.u32 s6;
	s12 =	rddreg [dreg:$0x4];
	[sflag:s25] =	ssyncset.done $0x0  }
0x67: {  	[sflag:s25] =	ssyncadd.s32 $0xFFFFC000;
	s12 =	sadd.s32 s11, s12  }
0x68: {  	[hbm4b:s12+s3] =	stream.linear.scatter [tilespmem:s19], [sflag:$0x5], $0x4000, $0x38;
	[tilespmem:$0x10200] =	vst v63  }
0x69: {  	_ =	swait.ge [sflag:s26], $0x4000  }
0x6a: {  	s12 =	rddreg [dreg:$0x5]  }
0x6b: {  	[sflag:s26] =	ssyncset.done $0x0;
	s11 =	sadd.s32 s11, s12  }
0x6c: {  	[sflag:s26] =	ssyncadd.s32 $0xFFFFC000;
	s12 =	sadd.s32 $0x800, s11  }
0x6d: {  	[hbm4b:s12+s3] =	stream.linear.scatter [tilespmem:s20], [sflag:$0x6], $0x4000, $0x38;
	[tilespmem:$0x10200] =	vst v63  }
0x6e: {  	_ =	swait.ge [sflag:s28], $0x4000  }
0x6f: {  	[sflag:s28] =	ssyncset.done $0x0  }
0x70: {  	s12 =	sadd.s32 $0x1000, s11;
	[sflag:s28] =	ssyncadd.s32 $0xFFFFC000  }
0x71: {  	[hbm4b:s12+s3] =	stream.linear.scatter [tilespmem:s22], [sflag:$0x7], $0x4000, $0x38;
	[tilespmem:$0x10200] =	vst v63  }
0x72: {  	_ =	swait.ge [sflag:s29], $0x4000  }
0x73: {  	[sflag:s29] =	ssyncset.done $0x0  }
0x74: {  	s11 =	sadd.s32 $0x1800, s11;
	[sflag:s29] =	ssyncadd.s32 $0xFFFFC000  }
0x75: {  	[hbm4b:s11+s3] =	stream.linear.scatter [tilespmem:s24], [sflag:$0x8], $0x4000, $0x38;
	[tilespmem:$0x10200] =	vst v63  }
0x76: {  	_ =	swait.ge [sflag:s30], $0x4000  }
0x77: {  	[sflag:s30] =	ssyncset.done $0x0  }
0x78: {  	[sflag:s30] =	ssyncadd.s32 $0xFFFFC000  }
0x79: {  	[tilespmem:s3], [sflag:$0x9] =	stream.linear.gather [hbm4b:s8+s3], $0x80, $0x38;
	[tilespmem:$0x10200] =	vst v63  }
0x7a: {  	_ =	swait.ge [sflag:s17], $0x80  }
0x7b: {  	[sflag:s17] =	ssyncset.done $0x0  }
0x7c: {  	[sflag:s17] =	ssyncadd.s32 $0xFFFFFF80  }
0x7d: {  	[tilespmem:s19], [sflag:$0x1] =	stream.indirect.gather [hbm4b:s2+s18], $0x80, s3, s18, $0xb8;
	[tilespmem:$0x10200] =	vst v63  }
0x7e: {  	_ =	swait.ge [sflag:s31], $0x4000  }
0x7f: {  	[sflag:s31] =	ssyncset.done $0x0  }
0x80: {  	[sflag:s31] =	ssyncadd.s32 $0xFFFFC000  }
0x81: {  	[tilespmem:s18], [sflag:$0x9] =	stream.linear.gather [hbm4b:s7+s3], $0x80, $0x38;
	[tilespmem:$0x10200] =	vst v63  }
0x82: {  	_ =	swait.ge [sflag:s17], $0x80  }
0x83: {  	[sflag:s17] =	ssyncset.done $0x0  }
0x84: {  	[sflag:s17] =	ssyncadd.s32 $0xFFFFFF80  }
0x85: {  	[tilespmem:s20], [sflag:$0x2] =	stream.indirect.gather [hbm4b:s2+s18], $0x80, s18, s18, $0xb8;
	[tilespmem:$0x10200] =	vst v63  }
0x86: {  	_ =	swait.ge [sflag:s1], $0x4000  }
0x87: {  	[sflag:s1] =	ssyncset.done $0x0  }
0x88: {  	[sflag:s1] =	ssyncadd.s32 $0xFFFFC000  }
0x89: {  	[tilespmem:s21], [sflag:$0x9] =	stream.linear.gather [hbm4b:s10+s3], $0x80, $0x38;
	[tilespmem:$0x10200] =	vst v63  }
0x8a: {  	_ =	swait.ge [sflag:s17], $0x80  }
0x8b: {  	[sflag:s17] =	ssyncset.done $0x0  }
0x8c: {  	[sflag:s17] =	ssyncadd.s32 $0xFFFFFF80  }
0x8d: {  	[tilespmem:s22], [sflag:$0x3] =	stream.indirect.gather [hbm4b:s2+s18], $0x80, s21, s18, $0xb8;
	[tilespmem:$0x10200] =	vst v63  }
0x8e: {  	_ =	swait.ge [sflag:s0], $0x4000  }
0x8f: {  	p0 =	sne.s32 s6, $0x60000;
	[sflag:s0] =	ssyncset.done $0x0  }
.Ltmp0:
0x90: {  	[sflag:s0] =	ssyncadd.s32 $0xFFFFC000;
	(pc) =	sbr.rel @p0 .LBB2_2-.Ltmp0, $4  }
0x91: {  	[tilespmem:s23], [sflag:$0x9] =	stream.linear.gather [hbm4b:s9+s3], $0x80, $0x38;
	[tilespmem:$0x10200] =	vst v63  }
0x92: {  	s6 =	sadd.s32 $0x2000, s6;
	_ =	swait.ge [sflag:s17], $0x80  }
0x93: {  	s8 =	sadd.s32 $0x40, s8;
	s7 =	sadd.s32 $0x40, s7;
	[sflag:s17] =	ssyncset.done $0x0  }
0x94: {  	s10 =	sadd.s32 $0x40, s10;
	s9 =	sadd.s32 $0x40, s9;
	[sflag:s17] =	ssyncadd.s32 $0xFFFFFF80  }
0x95: {  	[tilespmem:s24], [sflag:$0x4] =	stream.indirect.gather [hbm4b:s2+s18], $0x80, s23, s18, $0xb8;
	[tilespmem:$0x10200] =	vst v63  }
0x96: {  	_ =	swait.ge [sflag:s25], $0x4000  }
0x97: {  	[sflag:s25] =	ssyncset.done $0x0  }
0x98: {  	s6 =	rddreg [dreg:$0x9];
	[sflag:s25] =	ssyncadd.s32 $0xFFFFC000  }
0x99: {  	[hbm4b:s6+s3] =	stream.linear.scatter [tilespmem:s19], [sflag:$0x5], $0x4000, $0x38;
	[tilespmem:$0x10200] =	vst v63  }
0x9a: {  	_ =	swait.ge [sflag:s26], $0x4000  }
0x9b: {  	[sflag:s26] =	ssyncset.done $0x0  }
0x9c: {  	s9 =	rddreg [dreg:$0xa];
	[sflag:s26] =	ssyncadd.s32 $0xFFFFC000  }
0x9d: {  	[hbm4b:s9+s3] =	stream.linear.scatter [tilespmem:s20], [sflag:$0x6], $0x4000, $0x38;
	[tilespmem:$0x10200] =	vst v63  }
0x9e: {  	_ =	swait.ge [sflag:s28], $0x4000  }
0x9f: {  	[sflag:s28] =	ssyncset.done $0x0  }
0xa0: {  	s10 =	rddreg [dreg:$0xb];
	[sflag:s28] =	ssyncadd.s32 $0xFFFFC000  }
0xa1: {  	[hbm4b:s10+s3] =	stream.linear.scatter [tilespmem:s22], [sflag:$0x7], $0x4000, $0x38;
	[tilespmem:$0x10200] =	vst v63  }
0xa2: {  	_ =	swait.ge [sflag:s29], $0x4000  }
0xa3: {  	[sflag:s29] =	ssyncset.done $0x0  }
0xa4: {  	s11 =	rddreg [dreg:$0xc];
	[sflag:s29] =	ssyncadd.s32 $0xFFFFC000  }
0xa5: {  	[hbm4b:s11+s3] =	stream.linear.scatter [tilespmem:s24], [sflag:$0x8], $0x4000, $0x38;
	[tilespmem:$0x10200] =	vst v63  }
0xa6: {  	_ =	swait.ge [sflag:s30], $0x4000  }
0xa7: {  	[sflag:s30] =	ssyncset.done $0x0  }
0xa8: {  	[sflag:s30] =	ssyncadd.s32 $0xFFFFC000  }
0xa9: {  	_ =	swait.ge [sflag:s31], $0x4000  }
0xaa: {  	[sflag:s31] =	ssyncset.done $0x0  }
0xab: {  	[sflag:s31] =	ssyncadd.s32 $0xFFFFC000  }
0xac: {  	_ =	swait.ge [sflag:s1], $0x4000  }
0xad: {  	[sflag:s1] =	ssyncset.done $0x0  }
0xae: {  	[sflag:s1] =	ssyncadd.s32 $0xFFFFC000  }
0xaf: {  	_ =	swait.ge [sflag:s0], $0x4000  }
0xb0: {  	s5 =	sadd.s32 $0x1, s5;
	s12 =	rddreg [dreg:$0xd]  }
0xb1: {  	p0 =	sne.s32 s5, s12  }
.Ltmp1:
0xb2: {  	_ = 	snop;
	(pc) =	sbr.rel @p0 .LBB2_1-.Ltmp1, $3  }
0xb3: {  	_ =	sdelay $0x1  }
0xb4: {  	[sflag:s0] =	ssyncset.done $0x0  }
0xb5: {  	[sflag:s0] =	ssyncadd.s32 $0xFFFFC000  }
0xb6: {  	_ =	sfence.sel $0x180000  }
0xb7: {  	[bflag:$0x0] =	sbarrier.arrive $0xFFFF  }
0xb8: {  	_ =	strace $0x90000047  }
0xb9: {  	s0 =	stileid.u32;
	[bflag:$0x2] =	sbarrier.arrive $0xFFFF  }
0xba: {  	p0 =	sne.s32 s0, $0x0;
	s0 =	rddreg [dreg:$0x3]  }
0xbb: {  	s0 =	sadd.s32 @!p0 $0x100000, s0  }
0xbc: {  	[sflag:s0] =	ssyncadd.tile.s32 @!p0 $0x1;
	_ =	shalt  }
.Lfunc_end2:
_tile_overlayer_lowered:
.L_overlay_start_2:
0xbd: {  	(tag) =	ssettag $0x2  }
0xbe: {  	s0 =	rddreg [dreg:$0x0];
	s2 =	stileid.u32  }
0xbf: {  	s1 =	rddreg [dreg:$0x1];
	p0 =	sne.s32 s2, $0x0  }
0xc0: {  	s3 =	rddreg [dreg:$0x2];
	[bflag:$0x3] =	sbarrier.arrive $0xFFFF;
	s2 =	simm.s32 @!p0 $0x1C09  }
0xc1: {  	[timem:s3], [sflag:s2] =	dma.local @!p0 [hbm:s0], s1  }
0xc2: {  	s0 =	simm.s32 @!p0 $0x9  }
0xc3: {  	_ =	swait.ge @!p0 [sflag:s0], s1  }
0xc4: {  	s1 =	ssub.s32 @!p0 $0x0, s1;
	[sflag:s0] =	ssyncset.done @!p0 $0x0  }
0xc5: {  	[sflag:s0] =	ssyncadd.s32 @!p0 s1  }
0xc6: {  	[bflag:$0x3] =	sbarrier.arrive $0xFFFF  }
0xc7: {  	_ =	shalt  }

</sc_bundles>
